<compile_context>
chip_gen: v7x
topology: tpu7x:2x2x1
jax: 0.10.2.dev20260603
libtpu: 0.0.44.dev20260713+nightly
codegen_flags: <defaults>
</compile_context>

<pallas_src>
import functools

import jax
import jax.numpy as jnp
from jax import lax
from jax.experimental import pallas as pl
from jax.experimental.pallas import tpu as pltpu
from jax.experimental.pallas import tpu_sc as plsc

NC = 2
NS = 16
NW = NC * NS
CHUNK = 64


def _sc_gather(table, idx_flat, n_rows, hidden):
    per_w = n_rows // NW
    mesh = plsc.VectorSubcoreMesh(core_axis_name="c", subcore_axis_name="s")

    @functools.partial(
        pl.kernel,
        mesh=mesh,
        out_type=jax.ShapeDtypeStruct((n_rows, hidden), jnp.float32),
        scratch_types=[
            pltpu.VMEM((CHUNK,), jnp.int32),
            pltpu.VMEM((CHUNK,), jnp.int32),
            pltpu.VMEM((CHUNK, hidden), jnp.float32),
            pltpu.VMEM((CHUNK, hidden), jnp.float32),
            pltpu.SemaphoreType.DMA,
            pltpu.SemaphoreType.DMA,
            pltpu.SemaphoreType.DMA,
            pltpu.SemaphoreType.DMA,
        ],
    )
    def gather_kernel(table_hbm, idx_hbm, out_hbm, idx0, idx1, rows0, rows1,
                      sg0, sg1, sw0, sw1):
        wid = lax.axis_index("s") * NC + lax.axis_index("c")
        base = wid * per_w

        @pl.loop(0, per_w, step=2 * CHUNK)
        def _(off):
            @pl.when(off > 0)
            def _():
                pltpu.make_async_copy(
                    rows0, out_hbm.at[pl.ds(base + off - 2 * CHUNK, CHUNK)],
                    sw0).wait()
                pltpu.make_async_copy(
                    rows1, out_hbm.at[pl.ds(base + off - CHUNK, CHUNK)],
                    sw1).wait()

            pltpu.sync_copy(idx_hbm.at[pl.ds(base + off, CHUNK)], idx0)
            g0 = pltpu.async_copy(table_hbm.at[idx0], rows0, sg0)
            pltpu.sync_copy(idx_hbm.at[pl.ds(base + off + CHUNK, CHUNK)], idx1)
            g1 = pltpu.async_copy(table_hbm.at[idx1], rows1, sg1)
            g0.wait()
            pltpu.async_copy(rows0, out_hbm.at[pl.ds(base + off, CHUNK)], sw0)
            g1.wait()
            pltpu.async_copy(rows1, out_hbm.at[pl.ds(base + off + CHUNK, CHUNK)],
                             sw1)

        pltpu.make_async_copy(
            rows0, out_hbm.at[pl.ds(base + per_w - 2 * CHUNK, CHUNK)], sw0).wait()
        pltpu.make_async_copy(
            rows1, out_hbm.at[pl.ds(base + per_w - CHUNK, CHUNK)], sw1).wait()

    return gather_kernel(table, idx_flat)


def _tc_body(g_ref, tt_ref, pos_ref, type_ref, gamma_ref, beta_ref, o_ref):
    x = g_ref[...]
    tt = tt_ref[...][..., None]
    t0 = type_ref[0]
    t1 = type_ref[1]
    t2 = type_ref[2]
    type_emb = jnp.where(tt == 0, t0, jnp.where(tt == 1, t1, t2))
    x = x + pos_ref[...][None] + type_emb
    mean = jnp.mean(x, axis=-1, keepdims=True)
    xc = x - mean
    var = jnp.mean(xc * xc, axis=-1, keepdims=True)
    inv = lax.rsqrt(var + 1e-12)
    o_ref[...] = xc * inv * gamma_ref[...] + beta_ref[...]


def _tc_body_acc(g_ref, tt_ref, pos_ref, type_ref, gamma_ref, beta_ref, prev_ref,
                 o_ref):
    del prev_ref
    _tc_body(g_ref, tt_ref, pos_ref, type_ref, gamma_ref, beta_ref, o_ref)


def _tc_add_ln(gathered, token_type_ids, pos_table, type_pad, gamma, beta,
               full_batch, chunk, prev):
    bc, S = token_type_ids.shape
    H = gathered.shape[-1]
    SB = 8
    nblk = bc // SB
    base = chunk // SB
    in_specs = [
        pl.BlockSpec((SB, S, H), lambda i: (i, 0, 0)),
        pl.BlockSpec((SB, S), lambda i: (i, 0)),
        pl.BlockSpec((S, H), lambda i: (0, 0)),
        pl.BlockSpec((8, H), lambda i: (0, 0)),
        pl.BlockSpec((H,), lambda i: (0,)),
        pl.BlockSpec((H,), lambda i: (0,)),
    ]
    args = [gathered, token_type_ids, pos_table, type_pad, gamma, beta]
    body = _tc_body
    alias = {}
    if prev is not None:
        in_specs.append(pl.BlockSpec(memory_space=pl.ANY))
        args.append(prev)
        body = _tc_body_acc
        alias = {6: 0}
    return pl.pallas_call(
        body,
        grid=(nblk,),
        in_specs=in_specs,
        out_specs=pl.BlockSpec((SB, S, H), lambda i: (base + i, 0, 0)),
        out_shape=jax.ShapeDtypeStruct((full_batch, S, H), jnp.float32),
        input_output_aliases=alias,
        compiler_params=pltpu.CompilerParams(
            dimension_semantics=("parallel",),
        ),
    )(*args)


CHUNK_SIZES = (512, 512)


def kernel(input_ids, token_type_ids, tok_table, pos_table, type_table, gamma, beta):
    B, S = input_ids.shape
    V, H = tok_table.shape
    type_pad = jnp.zeros((8, H), jnp.float32).at[:3].set(type_table)

    gathered = []
    starts = []
    s0 = 0
    for bc in CHUNK_SIZES:
        ids_c = input_ids[s0:s0 + bc].reshape(bc * S).astype(jnp.int32)
        gathered.append(_sc_gather(tok_table, ids_c, bc * S, H).reshape(bc, S, H))
        starts.append(s0)
        s0 += bc
    out = None
    for g_c, s0, bc in zip(gathered, starts, CHUNK_SIZES):
        tt_c = token_type_ids[s0:s0 + bc]
        out = _tc_add_ln(g_c, tt_c, pos_table, type_pad, gamma, beta,
                         B, s0, out)
    return out

# --- scband reference (transcript-rebuilt; emitter-appended) ---
"""Pipeline reference for scband-embeddings-15504831938768 (READ-ONLY COPY).

The authoritative reference and input builder live on the scoring server;
editing this copy changes nothing except your own understanding.
"""

import jax, jax.numpy as jnp
import numpy as np

VOCAB = 100000
HIDDEN = 768
MAX_LEN = 128
BATCH = 1024
SEQ = 128

def setup_inputs(seed: int = 0) -> dict:
    key = jax.random.key(seed)
    k1, k2, k3, k4, k5 = jax.random.split(key, 5)
    input_ids = jax.random.randint(k1, (BATCH, SEQ), 0, VOCAB, dtype=jnp.int64 if jax.config.jax_enable_x64 else jnp.int32)
    token_type_ids = jax.random.randint(k2, (BATCH, SEQ), 0, 3, dtype=jnp.int64 if jax.config.jax_enable_x64 else jnp.int32)
    tok_table = jax.random.normal(k3, (VOCAB, HIDDEN), dtype=jnp.float32) * 0.02
    tok_table = tok_table.at[0].set(0.0)  # padding_idx=0
    pos_table = jax.random.normal(k4, (MAX_LEN, HIDDEN), dtype=jnp.float32) * 0.02
    pos_table = pos_table.at[0].set(0.0)  # padding_idx=0
    type_table = jax.random.normal(k5, (3, HIDDEN), dtype=jnp.float32) * 0.02
    type_table = type_table.at[0].set(0.0)  # padding_idx=0
    gamma = jnp.ones((HIDDEN,), dtype=jnp.float32)
    beta = jnp.zeros((HIDDEN,), dtype=jnp.float32)
    return {
        'input_ids': input_ids,
        'token_type_ids': token_type_ids,
        'tok_table': tok_table,
        'pos_table': pos_table,
        'type_table': type_table,
        'gamma': gamma,
        'beta': beta,
    }

def _layer_norm(x, gamma, beta, eps=1e-12):
    mean = jnp.mean(x, axis=-1, keepdims=True)
    var = jnp.mean((x - mean) ** 2, axis=-1, keepdims=True)
    return (x - mean) / jnp.sqrt(var + eps) * gamma + beta

def reference(input_ids, token_type_ids, tok_table, pos_table, type_table, gamma, beta):
    seq_length = input_ids.shape[1]
    position_ids = jnp.arange(seq_length, dtype=input_ids.dtype)
    token_embeddings = jnp.take(tok_table, input_ids, axis=0)          # gather [B,S,H]
    position_embeddings = jnp.take(pos_table, position_ids, axis=0)    # gather [S,H]
    token_type_embeddings = jnp.take(type_table, token_type_ids, axis=0)  # gather [B,S,H]
    embeddings = token_embeddings + position_embeddings[None, :, :] + token_type_embeddings
    embeddings = _layer_norm(embeddings, gamma, beta, eps=1e-12)
    # dropout is identity in eval mode
    return embeddings

if __name__ == "__main__":
    import jax
    _d = setup_inputs()
    print(jax.jit(kernel)(*tuple(_d.values())))

</pallas_src>

<mosaic_0001>
#map = affine_map<(d0, d1) -> (0, 0)>
#map1 = affine_map<(d0, d1) -> (0)>
module attributes {stable_mosaic.version = 14 : i64} {
  func.func @gather_kernel(%arg0: i32, %arg1: i32, %arg2: memref<100000x768xf32, #tpu.memory_space<hbm>>, %arg3: memref<65536xi32, #tpu.memory_space<hbm>>, %arg4: memref<65536x768xf32, #tpu.memory_space<hbm>>, %arg5: memref<64xi32, #tpu.memory_space<vmem>>, %arg6: memref<64xi32, #tpu.memory_space<vmem>>, %arg7: memref<64x768xf32, #tpu.memory_space<vmem>>, %arg8: memref<64x768xf32, #tpu.memory_space<vmem>>, %arg9: memref<!tpu.dma_semaphore, #tpu.memory_space<semaphore_mem>>, %arg10: memref<!tpu.dma_semaphore, #tpu.memory_space<semaphore_mem>>, %arg11: memref<!tpu.dma_semaphore, #tpu.memory_space<semaphore_mem>>, %arg12: memref<!tpu.dma_semaphore, #tpu.memory_space<semaphore_mem>>) attributes {dimension_semantics = [#tpu.dimension_semantics<core_parallel>, #tpu.dimension_semantics<subcore_parallel>], iteration_bounds = array<i64: 2, 16>, scalar_prefetch = 0 : i64, scratch_operands = 8 : i64, tpu.core_type = #tpu.core_type<sc_vector_subcore>, window_params = [{transform_indices = #map}, {transform_indices = #map1}, {transform_indices = #map}]} {
    %mul3A = arith.constant 2 : i32
    %mul3A_0 = arith.muli %arg1, %mul3A : i32
    %add3A = arith.addi %mul3A_0, %arg0 : i32
    %mul3A_1 = arith.constant 2048 : i32
    %mul3A_2 = arith.muli %add3A, %mul3A_1 : i32
    %scan3A = arith.constant 0 : i32
    %scan3A_3 = arith.constant 16 : i32
    %scan3A_4 = arith.addi %scan3A, %scan3A_3 : i32
    %scan3A_5 = arith.constant 1 : i32
    scf.for %scan3A_21 = %scan3A to %scan3A_4 step %scan3A_5  : i32 {
      %mul3A_22 = arith.constant 128 : i32
      %mul3A_23 = arith.muli %scan3A_21, %mul3A_22 : i32
      %add3A_24 = arith.constant 0 : i32
      %add3A_25 = arith.addi %add3A_24, %mul3A_23 : i32
      %gt3A = arith.constant 0 : i32
      %gt3A_26 = arith.cmpi sgt, %add3A_25, %gt3A : i32
      %convert_element_type3A = arith.extui %gt3A_26 : i1 to i32
      %cond3A = arith.constant 0 : i32
      %cond3A_27 = arith.cmpi ne, %convert_element_type3A, %cond3A : i32
      scf.if %cond3A_27 {
        %add3A_55 = arith.addi %mul3A_2, %add3A_25 : i32
        %sub3A_56 = arith.constant 128 : i32
        %sub3A_57 = arith.subi %add3A_55, %sub3A_56 : i32
        %dma_wait3A_58 = arith.constant 0 : i32
        %dma_wait3A_59 = tpu.memref_slice %arg4[%sub3A_57, %dma_wait3A_58] : memref<65536x768xf32, #tpu.memory_space<hbm>> -> memref<64x768xf32, #tpu.memory_space<hbm>>
        %dma_wait3A_60 = arith.constant 0 : i32
        %dma_wait3A_61 = tpu.memref_slice %arg4[%sub3A_57, %dma_wait3A_60] : memref<65536x768xf32, #tpu.memory_space<hbm>> -> memref<64x768xf32, #tpu.memory_space<hbm>>
        tpu.wait_dma2 semaphore(%arg11 : memref<!tpu.dma_semaphore, #tpu.memory_space<semaphore_mem>>) src(%arg7 : memref<64x768xf32, #tpu.memory_space<vmem>>) dst(%dma_wait3A_61 : memref<64x768xf32, #tpu.memory_space<hbm>>)
        %add3A_62 = arith.addi %mul3A_2, %add3A_25 : i32
        %sub3A_63 = arith.constant 64 : i32
        %sub3A_64 = arith.subi %add3A_62, %sub3A_63 : i32
        %dma_wait3A_65 = arith.constant 0 : i32
        %dma_wait3A_66 = tpu.memref_slice %arg4[%sub3A_64, %dma_wait3A_65] : memref<65536x768xf32, #tpu.memory_space<hbm>> -> memref<64x768xf32, #tpu.memory_space<hbm>>
        %dma_wait3A_67 = arith.constant 0 : i32
        %dma_wait3A_68 = tpu.memref_slice %arg4[%sub3A_64, %dma_wait3A_67] : memref<65536x768xf32, #tpu.memory_space<hbm>> -> memref<64x768xf32, #tpu.memory_space<hbm>>
        tpu.wait_dma2 semaphore(%arg12 : memref<!tpu.dma_semaphore, #tpu.memory_space<semaphore_mem>>) src(%arg8 : memref<64x768xf32, #tpu.memory_space<vmem>>) dst(%dma_wait3A_68 : memref<64x768xf32, #tpu.memory_space<hbm>>)
      } else {
      }
      %add3A_28 = arith.addi %mul3A_2, %add3A_25 : i32
      "tpu.region"() ({
        %run_scoped3A = tpu.sem_alloc : memref<!tpu.dma_semaphore, #tpu.memory_space<semaphore_mem>>
        %dma_start3A_55 = tpu.memref_slice %arg3[%add3A_28] : memref<65536xi32, #tpu.memory_space<hbm>> -> memref<64xi32, #tpu.memory_space<hbm>>
        %dma_start3A_56 = tpu.memref_slice %arg3[%add3A_28] : memref<65536xi32, #tpu.memory_space<hbm>> -> memref<64xi32, #tpu.memory_space<hbm>>
        tpu.enqueue_dma source(%dma_start3A_56 : memref<64xi32, #tpu.memory_space<hbm>>) target(%arg5 : memref<64xi32, #tpu.memory_space<vmem>>) target_semaphore(%run_scoped3A : memref<!tpu.dma_semaphore, #tpu.memory_space<semaphore_mem>>)
        %dma_wait3A_57 = tpu.memref_slice %arg3[%add3A_28] : memref<65536xi32, #tpu.memory_space<hbm>> -> memref<64xi32, #tpu.memory_space<hbm>>
        %dma_wait3A_58 = tpu.memref_slice %arg3[%add3A_28] : memref<65536xi32, #tpu.memory_space<hbm>> -> memref<64xi32, #tpu.memory_space<hbm>>
        tpu.wait_dma2 semaphore(%run_scoped3A : memref<!tpu.dma_semaphore, #tpu.memory_space<semaphore_mem>>) src(%dma_wait3A_58 : memref<64xi32, #tpu.memory_space<hbm>>) dst(%arg5 : memref<64xi32, #tpu.memory_space<vmem>>)
        tpu.yield
      }) : () -> ()
      %dma_start3A = arith.constant 0 : i32
      %dma_start3A_29 = arith.constant 0 : i32
      %dma_start3A_30 = tpu.memref_slice %arg2[%dma_start3A, %dma_start3A_29] : memref<100000x768xf32, #tpu.memory_space<hbm>> -> memref<100000x768xf32, #tpu.memory_space<hbm>>
      tpu.enqueue_indirect_dma source(%dma_start3A_30 : memref<100000x768xf32, #tpu.memory_space<hbm>>) target(%arg7 : memref<64x768xf32, #tpu.memory_space<vmem>>) offsets(%arg5 : memref<64xi32, #tpu.memory_space<vmem>>) semaphore(%arg9 : memref<!tpu.dma_semaphore, #tpu.memory_space<semaphore_mem>>)
      %add3A_31 = arith.addi %mul3A_2, %add3A_25 : i32
      %add3A_32 = arith.constant 64 : i32
      %add3A_33 = arith.addi %add3A_31, %add3A_32 : i32
      "tpu.region"() ({
        %run_scoped3A = tpu.sem_alloc : memref<!tpu.dma_semaphore, #tpu.memory_space<semaphore_mem>>
        %dma_start3A_55 = tpu.memref_slice %arg3[%add3A_33] : memref<65536xi32, #tpu.memory_space<hbm>> -> memref<64xi32, #tpu.memory_space<hbm>>
        %dma_start3A_56 = tpu.memref_slice %arg3[%add3A_33] : memref<65536xi32, #tpu.memory_space<hbm>> -> memref<64xi32, #tpu.memory_space<hbm>>
        tpu.enqueue_dma source(%dma_start3A_56 : memref<64xi32, #tpu.memory_space<hbm>>) target(%arg6 : memref<64xi32, #tpu.memory_space<vmem>>) target_semaphore(%run_scoped3A : memref<!tpu.dma_semaphore, #tpu.memory_space<semaphore_mem>>)
        %dma_wait3A_57 = tpu.memref_slice %arg3[%add3A_33] : memref<65536xi32, #tpu.memory_space<hbm>> -> memref<64xi32, #tpu.memory_space<hbm>>
        %dma_wait3A_58 = tpu.memref_slice %arg3[%add3A_33] : memref<65536xi32, #tpu.memory_space<hbm>> -> memref<64xi32, #tpu.memory_space<hbm>>
        tpu.wait_dma2 semaphore(%run_scoped3A : memref<!tpu.dma_semaphore, #tpu.memory_space<semaphore_mem>>) src(%dma_wait3A_58 : memref<64xi32, #tpu.memory_space<hbm>>) dst(%arg6 : memref<64xi32, #tpu.memory_space<vmem>>)
        tpu.yield
      }) : () -> ()
      %dma_start3A_34 = arith.constant 0 : i32
      %dma_start3A_35 = arith.constant 0 : i32
      %dma_start3A_36 = tpu.memref_slice %arg2[%dma_start3A_34, %dma_start3A_35] : memref<100000x768xf32, #tpu.memory_space<hbm>> -> memref<100000x768xf32, #tpu.memory_space<hbm>>
      tpu.enqueue_indirect_dma source(%dma_start3A_36 : memref<100000x768xf32, #tpu.memory_space<hbm>>) target(%arg8 : memref<64x768xf32, #tpu.memory_space<vmem>>) offsets(%arg6 : memref<64xi32, #tpu.memory_space<vmem>>) semaphore(%arg10 : memref<!tpu.dma_semaphore, #tpu.memory_space<semaphore_mem>>)
      %dma_wait3A_37 = arith.constant 0 : i32
      %dma_wait3A_38 = arith.constant 0 : i32
      %dma_wait3A_39 = tpu.memref_slice %arg2[%dma_wait3A_37, %dma_wait3A_38] : memref<100000x768xf32, #tpu.memory_space<hbm>> -> memref<100000x768xf32, #tpu.memory_space<hbm>>
      tpu.wait_indirect_dma semaphore(%arg9 : memref<!tpu.dma_semaphore, #tpu.memory_space<semaphore_mem>>) src(%dma_wait3A_39 : memref<100000x768xf32, #tpu.memory_space<hbm>>) dst(%arg7 : memref<64x768xf32, #tpu.memory_space<vmem>>)
      %add3A_40 = arith.addi %mul3A_2, %add3A_25 : i32
      %dma_start3A_41 = arith.constant 0 : i32
      %dma_start3A_42 = tpu.memref_slice %arg4[%add3A_40, %dma_start3A_41] : memref<65536x768xf32, #tpu.memory_space<hbm>> -> memref<64x768xf32, #tpu.memory_space<hbm>>
      %dma_start3A_43 = arith.constant 0 : i32
      %dma_start3A_44 = tpu.memref_slice %arg4[%add3A_40, %dma_start3A_43] : memref<65536x768xf32, #tpu.memory_space<hbm>> -> memref<64x768xf32, #tpu.memory_space<hbm>>
      tpu.enqueue_dma source(%arg7 : memref<64x768xf32, #tpu.memory_space<vmem>>) target(%dma_start3A_44 : memref<64x768xf32, #tpu.memory_space<hbm>>) target_semaphore(%arg11 : memref<!tpu.dma_semaphore, #tpu.memory_space<semaphore_mem>>)
      %dma_wait3A_45 = arith.constant 0 : i32
      %dma_wait3A_46 = arith.constant 0 : i32
      %dma_wait3A_47 = tpu.memref_slice %arg2[%dma_wait3A_45, %dma_wait3A_46] : memref<100000x768xf32, #tpu.memory_space<hbm>> -> memref<100000x768xf32, #tpu.memory_space<hbm>>
      tpu.wait_indirect_dma semaphore(%arg10 : memref<!tpu.dma_semaphore, #tpu.memory_space<semaphore_mem>>) src(%dma_wait3A_47 : memref<100000x768xf32, #tpu.memory_space<hbm>>) dst(%arg8 : memref<64x768xf32, #tpu.memory_space<vmem>>)
      %add3A_48 = arith.addi %mul3A_2, %add3A_25 : i32
      %add3A_49 = arith.constant 64 : i32
      %add3A_50 = arith.addi %add3A_48, %add3A_49 : i32
      %dma_start3A_51 = arith.constant 0 : i32
      %dma_start3A_52 = tpu.memref_slice %arg4[%add3A_50, %dma_start3A_51] : memref<65536x768xf32, #tpu.memory_space<hbm>> -> memref<64x768xf32, #tpu.memory_space<hbm>>
      %dma_start3A_53 = arith.constant 0 : i32
      %dma_start3A_54 = tpu.memref_slice %arg4[%add3A_50, %dma_start3A_53] : memref<65536x768xf32, #tpu.memory_space<hbm>> -> memref<64x768xf32, #tpu.memory_space<hbm>>
      tpu.enqueue_dma source(%arg8 : memref<64x768xf32, #tpu.memory_space<vmem>>) target(%dma_start3A_54 : memref<64x768xf32, #tpu.memory_space<hbm>>) target_semaphore(%arg12 : memref<!tpu.dma_semaphore, #tpu.memory_space<semaphore_mem>>)
    }
    %scan3A_6 = arith.constant 16 : i32
    %add3A_7 = arith.constant 2048 : i32
    %add3A_8 = arith.addi %mul3A_2, %add3A_7 : i32
    %sub3A = arith.constant 128 : i32
    %sub3A_9 = arith.subi %add3A_8, %sub3A : i32
    %dma_wait3A = arith.constant 0 : i32
    %dma_wait3A_10 = tpu.memref_slice %arg4[%sub3A_9, %dma_wait3A] : memref<65536x768xf32, #tpu.memory_space<hbm>> -> memref<64x768xf32, #tpu.memory_space<hbm>>
    %dma_wait3A_11 = arith.constant 0 : i32
    %dma_wait3A_12 = tpu.memref_slice %arg4[%sub3A_9, %dma_wait3A_11] : memref<65536x768xf32, #tpu.memory_space<hbm>> -> memref<64x768xf32, #tpu.memory_space<hbm>>
    tpu.wait_dma2 semaphore(%arg11 : memref<!tpu.dma_semaphore, #tpu.memory_space<semaphore_mem>>) src(%arg7 : memref<64x768xf32, #tpu.memory_space<vmem>>) dst(%dma_wait3A_12 : memref<64x768xf32, #tpu.memory_space<hbm>>)
    %add3A_13 = arith.constant 2048 : i32
    %add3A_14 = arith.addi %mul3A_2, %add3A_13 : i32
    %sub3A_15 = arith.constant 64 : i32
    %sub3A_16 = arith.subi %add3A_14, %sub3A_15 : i32
    %dma_wait3A_17 = arith.constant 0 : i32
    %dma_wait3A_18 = tpu.memref_slice %arg4[%sub3A_16, %dma_wait3A_17] : memref<65536x768xf32, #tpu.memory_space<hbm>> -> memref<64x768xf32, #tpu.memory_space<hbm>>
    %dma_wait3A_19 = arith.constant 0 : i32
    %dma_wait3A_20 = tpu.memref_slice %arg4[%sub3A_16, %dma_wait3A_19] : memref<65536x768xf32, #tpu.memory_space<hbm>> -> memref<64x768xf32, #tpu.memory_space<hbm>>
    tpu.wait_dma2 semaphore(%arg12 : memref<!tpu.dma_semaphore, #tpu.memory_space<semaphore_mem>>) src(%arg8 : memref<64x768xf32, #tpu.memory_space<vmem>>) dst(%dma_wait3A_20 : memref<64x768xf32, #tpu.memory_space<hbm>>)
    return
  }
}

#map = affine_map<(d0, d1) -> (0, 0)>
#map1 = affine_map<(d0, d1) -> (0)>
module attributes {stable_mosaic.version = 14 : i64} {
  func.func @gather_kernel(%arg0: i32, %arg1: i32, %arg2: memref<100000x768xf32, #tpu.memory_space<hbm>>, %arg3: memref<65536xi32, #tpu.memory_space<hbm>>, %arg4: memref<65536x768xf32, #tpu.memory_space<hbm>>, %arg5: memref<64xi32, #tpu.memory_space<vmem>>, %arg6: memref<64xi32, #tpu.memory_space<vmem>>, %arg7: memref<64x768xf32, #tpu.memory_space<vmem>>, %arg8: memref<64x768xf32, #tpu.memory_space<vmem>>, %arg9: memref<!tpu.dma_semaphore, #tpu.memory_space<semaphore_mem>>, %arg10: memref<!tpu.dma_semaphore, #tpu.memory_space<semaphore_mem>>, %arg11: memref<!tpu.dma_semaphore, #tpu.memory_space<semaphore_mem>>, %arg12: memref<!tpu.dma_semaphore, #tpu.memory_space<semaphore_mem>>) attributes {dimension_semantics = [#tpu.dimension_semantics<core_parallel>, #tpu.dimension_semantics<subcore_parallel>], iteration_bounds = array<i64: 2, 16>, scalar_prefetch = 0 : i64, scratch_operands = 8 : i64, tpu.core_type = #tpu.core_type<sc_vector_subcore>, window_params = [{transform_indices = #map}, {transform_indices = #map1}, {transform_indices = #map}]} {
    %mul3A = arith.constant 2 : i32
    %mul3A_0 = arith.muli %arg1, %mul3A : i32
    %add3A = arith.addi %mul3A_0, %arg0 : i32
    %mul3A_1 = arith.constant 2048 : i32
    %mul3A_2 = arith.muli %add3A, %mul3A_1 : i32
    %scan3A = arith.constant 0 : i32
    %scan3A_3 = arith.constant 16 : i32
    %scan3A_4 = arith.addi %scan3A, %scan3A_3 : i32
    %scan3A_5 = arith.constant 1 : i32
    scf.for %scan3A_21 = %scan3A to %scan3A_4 step %scan3A_5  : i32 {
      %mul3A_22 = arith.constant 128 : i32
      %mul3A_23 = arith.muli %scan3A_21, %mul3A_22 : i32
      %add3A_24 = arith.constant 0 : i32
      %add3A_25 = arith.addi %add3A_24, %mul3A_23 : i32
      %gt3A = arith.constant 0 : i32
      %gt3A_26 = arith.cmpi sgt, %add3A_25, %gt3A : i32
      %convert_element_type3A = arith.extui %gt3A_26 : i1 to i32
      %cond3A = arith.constant 0 : i32
      %cond3A_27 = arith.cmpi ne, %convert_element_type3A, %cond3A : i32
      scf.if %cond3A_27 {
        %add3A_55 = arith.addi %mul3A_2, %add3A_25 : i32
        %sub3A_56 = arith.constant 128 : i32
        %sub3A_57 = arith.subi %add3A_55, %sub3A_56 : i32
        %dma_wait3A_58 = arith.constant 0 : i32
        %dma_wait3A_59 = tpu.memref_slice %arg4[%sub3A_57, %dma_wait3A_58] : memref<65536x768xf32, #tpu.memory_space<hbm>> -> memref<64x768xf32, #tpu.memory_space<hbm>>
        %dma_wait3A_60 = arith.constant 0 : i32
        %dma_wait3A_61 = tpu.memref_slice %arg4[%sub3A_57, %dma_wait3A_60] : memref<65536x768xf32, #tpu.memory_space<hbm>> -> memref<64x768xf32, #tpu.memory_space<hbm>>
        tpu.wait_dma2 semaphore(%arg11 : memref<!tpu.dma_semaphore, #tpu.memory_space<semaphore_mem>>) src(%arg7 : memref<64x768xf32, #tpu.memory_space<vmem>>) dst(%dma_wait3A_61 : memref<64x768xf32, #tpu.memory_space<hbm>>)
        %add3A_62 = arith.addi %mul3A_2, %add3A_25 : i32
        %sub3A_63 = arith.constant 64 : i32
        %sub3A_64 = arith.subi %add3A_62, %sub3A_63 : i32
        %dma_wait3A_65 = arith.constant 0 : i32
        %dma_wait3A_66 = tpu.memref_slice %arg4[%sub3A_64, %dma_wait3A_65] : memref<65536x768xf32, #tpu.memory_space<hbm>> -> memref<64x768xf32, #tpu.memory_space<hbm>>
        %dma_wait3A_67 = arith.constant 0 : i32
        %dma_wait3A_68 = tpu.memref_slice %arg4[%sub3A_64, %dma_wait3A_67] : memref<65536x768xf32, #tpu.memory_space<hbm>> -> memref<64x768xf32, #tpu.memory_space<hbm>>
        tpu.wait_dma2 semaphore(%arg12 : memref<!tpu.dma_semaphore, #tpu.memory_space<semaphore_mem>>) src(%arg8 : memref<64x768xf32, #tpu.memory_space<vmem>>) dst(%dma_wait3A_68 : memref<64x768xf32, #tpu.memory_space<hbm>>)
      } else {
      }
      %add3A_28 = arith.addi %mul3A_2, %add3A_25 : i32
      "tpu.region"() ({
        %run_scoped3A = tpu.sem_alloc : memref<!tpu.dma_semaphore, #tpu.memory_space<semaphore_mem>>
        %dma_start3A_55 = tpu.memref_slice %arg3[%add3A_28] : memref<65536xi32, #tpu.memory_space<hbm>> -> memref<64xi32, #tpu.memory_space<hbm>>
        %dma_start3A_56 = tpu.memref_slice %arg3[%add3A_28] : memref<65536xi32, #tpu.memory_space<hbm>> -> memref<64xi32, #tpu.memory_space<hbm>>
        tpu.enqueue_dma source(%dma_start3A_56 : memref<64xi32, #tpu.memory_space<hbm>>) target(%arg5 : memref<64xi32, #tpu.memory_space<vmem>>) target_semaphore(%run_scoped3A : memref<!tpu.dma_semaphore, #tpu.memory_space<semaphore_mem>>)
        %dma_wait3A_57 = tpu.memref_slice %arg3[%add3A_28] : memref<65536xi32, #tpu.memory_space<hbm>> -> memref<64xi32, #tpu.memory_space<hbm>>
        %dma_wait3A_58 = tpu.memref_slice %arg3[%add3A_28] : memref<65536xi32, #tpu.memory_space<hbm>> -> memref<64xi32, #tpu.memory_space<hbm>>
        tpu.wait_dma2 semaphore(%run_scoped3A : memref<!tpu.dma_semaphore, #tpu.memory_space<semaphore_mem>>) src(%dma_wait3A_58 : memref<64xi32, #tpu.memory_space<hbm>>) dst(%arg5 : memref<64xi32, #tpu.memory_space<vmem>>)
        tpu.yield
      }) : () -> ()
      %dma_start3A = arith.constant 0 : i32
      %dma_start3A_29 = arith.constant 0 : i32
      %dma_start3A_30 = tpu.memref_slice %arg2[%dma_start3A, %dma_start3A_29] : memref<100000x768xf32, #tpu.memory_space<hbm>> -> memref<100000x768xf32, #tpu.memory_space<hbm>>
      tpu.enqueue_indirect_dma source(%dma_start3A_30 : memref<100000x768xf32, #tpu.memory_space<hbm>>) target(%arg7 : memref<64x768xf32, #tpu.memory_space<vmem>>) offsets(%arg5 : memref<64xi32, #tpu.memory_space<vmem>>) semaphore(%arg9 : memref<!tpu.dma_semaphore, #tpu.memory_space<semaphore_mem>>)
      %add3A_31 = arith.addi %mul3A_2, %add3A_25 : i32
      %add3A_32 = arith.constant 64 : i32
      %add3A_33 = arith.addi %add3A_31, %add3A_32 : i32
      "tpu.region"() ({
        %run_scoped3A = tpu.sem_alloc : memref<!tpu.dma_semaphore, #tpu.memory_space<semaphore_mem>>
        %dma_start3A_55 = tpu.memref_slice %arg3[%add3A_33] : memref<65536xi32, #tpu.memory_space<hbm>> -> memref<64xi32, #tpu.memory_space<hbm>>
        %dma_start3A_56 = tpu.memref_slice %arg3[%add3A_33] : memref<65536xi32, #tpu.memory_space<hbm>> -> memref<64xi32, #tpu.memory_space<hbm>>
        tpu.enqueue_dma source(%dma_start3A_56 : memref<64xi32, #tpu.memory_space<hbm>>) target(%arg6 : memref<64xi32, #tpu.memory_space<vmem>>) target_semaphore(%run_scoped3A : memref<!tpu.dma_semaphore, #tpu.memory_space<semaphore_mem>>)
        %dma_wait3A_57 = tpu.memref_slice %arg3[%add3A_33] : memref<65536xi32, #tpu.memory_space<hbm>> -> memref<64xi32, #tpu.memory_space<hbm>>
        %dma_wait3A_58 = tpu.memref_slice %arg3[%add3A_33] : memref<65536xi32, #tpu.memory_space<hbm>> -> memref<64xi32, #tpu.memory_space<hbm>>
        tpu.wait_dma2 semaphore(%run_scoped3A : memref<!tpu.dma_semaphore, #tpu.memory_space<semaphore_mem>>) src(%dma_wait3A_58 : memref<64xi32, #tpu.memory_space<hbm>>) dst(%arg6 : memref<64xi32, #tpu.memory_space<vmem>>)
        tpu.yield
      }) : () -> ()
      %dma_start3A_34 = arith.constant 0 : i32
      %dma_start3A_35 = arith.constant 0 : i32
      %dma_start3A_36 = tpu.memref_slice %arg2[%dma_start3A_34, %dma_start3A_35] : memref<100000x768xf32, #tpu.memory_space<hbm>> -> memref<100000x768xf32, #tpu.memory_space<hbm>>
      tpu.enqueue_indirect_dma source(%dma_start3A_36 : memref<100000x768xf32, #tpu.memory_space<hbm>>) target(%arg8 : memref<64x768xf32, #tpu.memory_space<vmem>>) offsets(%arg6 : memref<64xi32, #tpu.memory_space<vmem>>) semaphore(%arg10 : memref<!tpu.dma_semaphore, #tpu.memory_space<semaphore_mem>>)
      %dma_wait3A_37 = arith.constant 0 : i32
      %dma_wait3A_38 = arith.constant 0 : i32
      %dma_wait3A_39 = tpu.memref_slice %arg2[%dma_wait3A_37, %dma_wait3A_38] : memref<100000x768xf32, #tpu.memory_space<hbm>> -> memref<100000x768xf32, #tpu.memory_space<hbm>>
      tpu.wait_indirect_dma semaphore(%arg9 : memref<!tpu.dma_semaphore, #tpu.memory_space<semaphore_mem>>) src(%dma_wait3A_39 : memref<100000x768xf32, #tpu.memory_space<hbm>>) dst(%arg7 : memref<64x768xf32, #tpu.memory_space<vmem>>)
      %add3A_40 = arith.addi %mul3A_2, %add3A_25 : i32
      %dma_start3A_41 = arith.constant 0 : i32
      %dma_start3A_42 = tpu.memref_slice %arg4[%add3A_40, %dma_start3A_41] : memref<65536x768xf32, #tpu.memory_space<hbm>> -> memref<64x768xf32, #tpu.memory_space<hbm>>
      %dma_start3A_43 = arith.constant 0 : i32
      %dma_start3A_44 = tpu.memref_slice %arg4[%add3A_40, %dma_start3A_43] : memref<65536x768xf32, #tpu.memory_space<hbm>> -> memref<64x768xf32, #tpu.memory_space<hbm>>
      tpu.enqueue_dma source(%arg7 : memref<64x768xf32, #tpu.memory_space<vmem>>) target(%dma_start3A_44 : memref<64x768xf32, #tpu.memory_space<hbm>>) target_semaphore(%arg11 : memref<!tpu.dma_semaphore, #tpu.memory_space<semaphore_mem>>)
      %dma_wait3A_45 = arith.constant 0 : i32
      %dma_wait3A_46 = arith.constant 0 : i32
      %dma_wait3A_47 = tpu.memref_slice %arg2[%dma_wait3A_45, %dma_wait3A_46] : memref<100000x768xf32, #tpu.memory_space<hbm>> -> memref<100000x768xf32, #tpu.memory_space<hbm>>
      tpu.wait_indirect_dma semaphore(%arg10 : memref<!tpu.dma_semaphore, #tpu.memory_space<semaphore_mem>>) src(%dma_wait3A_47 : memref<100000x768xf32, #tpu.memory_space<hbm>>) dst(%arg8 : memref<64x768xf32, #tpu.memory_space<vmem>>)
      %add3A_48 = arith.addi %mul3A_2, %add3A_25 : i32
      %add3A_49 = arith.constant 64 : i32
      %add3A_50 = arith.addi %add3A_48, %add3A_49 : i32
      %dma_start3A_51 = arith.constant 0 : i32
      %dma_start3A_52 = tpu.memref_slice %arg4[%add3A_50, %dma_start3A_51] : memref<65536x768xf32, #tpu.memory_space<hbm>> -> memref<64x768xf32, #tpu.memory_space<hbm>>
      %dma_start3A_53 = arith.constant 0 : i32
      %dma_start3A_54 = tpu.memref_slice %arg4[%add3A_50, %dma_start3A_53] : memref<65536x768xf32, #tpu.memory_space<hbm>> -> memref<64x768xf32, #tpu.memory_space<hbm>>
      tpu.enqueue_dma source(%arg8 : memref<64x768xf32, #tpu.memory_space<vmem>>) target(%dma_start3A_54 : memref<64x768xf32, #tpu.memory_space<hbm>>) target_semaphore(%arg12 : memref<!tpu.dma_semaphore, #tpu.memory_space<semaphore_mem>>)
    }
    %scan3A_6 = arith.constant 16 : i32
    %add3A_7 = arith.constant 2048 : i32
    %add3A_8 = arith.addi %mul3A_2, %add3A_7 : i32
    %sub3A = arith.constant 128 : i32
    %sub3A_9 = arith.subi %add3A_8, %sub3A : i32
    %dma_wait3A = arith.constant 0 : i32
    %dma_wait3A_10 = tpu.memref_slice %arg4[%sub3A_9, %dma_wait3A] : memref<65536x768xf32, #tpu.memory_space<hbm>> -> memref<64x768xf32, #tpu.memory_space<hbm>>
    %dma_wait3A_11 = arith.constant 0 : i32
    %dma_wait3A_12 = tpu.memref_slice %arg4[%sub3A_9, %dma_wait3A_11] : memref<65536x768xf32, #tpu.memory_space<hbm>> -> memref<64x768xf32, #tpu.memory_space<hbm>>
    tpu.wait_dma2 semaphore(%arg11 : memref<!tpu.dma_semaphore, #tpu.memory_space<semaphore_mem>>) src(%arg7 : memref<64x768xf32, #tpu.memory_space<vmem>>) dst(%dma_wait3A_12 : memref<64x768xf32, #tpu.memory_space<hbm>>)
    %add3A_13 = arith.constant 2048 : i32
    %add3A_14 = arith.addi %mul3A_2, %add3A_13 : i32
    %sub3A_15 = arith.constant 64 : i32
    %sub3A_16 = arith.subi %add3A_14, %sub3A_15 : i32
    %dma_wait3A_17 = arith.constant 0 : i32
    %dma_wait3A_18 = tpu.memref_slice %arg4[%sub3A_16, %dma_wait3A_17] : memref<65536x768xf32, #tpu.memory_space<hbm>> -> memref<64x768xf32, #tpu.memory_space<hbm>>
    %dma_wait3A_19 = arith.constant 0 : i32
    %dma_wait3A_20 = tpu.memref_slice %arg4[%sub3A_16, %dma_wait3A_19] : memref<65536x768xf32, #tpu.memory_space<hbm>> -> memref<64x768xf32, #tpu.memory_space<hbm>>
    tpu.wait_dma2 semaphore(%arg12 : memref<!tpu.dma_semaphore, #tpu.memory_space<semaphore_mem>>) src(%arg8 : memref<64x768xf32, #tpu.memory_space<vmem>>) dst(%dma_wait3A_20 : memref<64x768xf32, #tpu.memory_space<hbm>>)
    return
  }
}

module attributes {stable_mosaic.version = 14 : i64} {
  func.func @_tc_body_acc(%arg0: i32, %arg1: memref<8x128x768xf32, #tpu.memory_space<vmem>>, %arg2: memref<8x128xi32, #tpu.memory_space<vmem>>, %arg3: memref<128x768xf32, #tpu.memory_space<vmem>>, %arg4: memref<8x768xf32, #tpu.memory_space<vmem>>, %arg5: memref<768xf32, #tpu.memory_space<vmem>>, %arg6: memref<768xf32, #tpu.memory_space<vmem>>, %arg7: memref<1024x128x768xf32, #tpu.memory_space<any>>, %arg8: memref<8x128x768xf32, #tpu.memory_space<vmem>>) attributes {dimension_semantics = [#tpu.dimension_semantics<parallel>], iteration_bounds = array<i64: 64>, scalar_prefetch = 0 : i64, scratch_operands = 0 : i64, tpu.core_type = #tpu.core_type<tc>, window_params = [{transform_indices = @transform_0, window_bounds = array<i64: 8, 128, 768>}, {transform_indices = @transform_1, window_bounds = array<i64: 8, 128>}, {pipeline_mode = #tpu.pipeline_mode<synchronous>, transform_indices = @transform_2, window_bounds = array<i64: 128, 768>}, {pipeline_mode = #tpu.pipeline_mode<synchronous>, transform_indices = @transform_3, window_bounds = array<i64: 8, 768>}, {pipeline_mode = #tpu.pipeline_mode<synchronous>, transform_indices = @transform_4, window_bounds = array<i64: 768>}, {pipeline_mode = #tpu.pipeline_mode<synchronous>, transform_indices = @transform_5, window_bounds = array<i64: 768>}, {}, {transform_indices = @transform_7, window_bounds = array<i64: 8, 128, 768>}]} {
    %get3A = arith.constant 0 : index
    %get3A_0 = arith.constant 0 : index
    %get3A_1 = arith.constant 0 : index
    %get3A_2 = vector.load %arg1[%get3A, %get3A_0, %get3A_1] : memref<8x128x768xf32, #tpu.memory_space<vmem>>, vector<8x128x768xf32>
    %get3A_3 = arith.constant 0 : index
    %get3A_4 = arith.constant 0 : index
    %get3A_5 = vector.load %arg2[%get3A_3, %get3A_4] : memref<8x128xi32, #tpu.memory_space<vmem>>, vector<8x128xi32>
    %broadcast_in_dim3A = vector.shape_cast %get3A_5 : vector<8x128xi32> to vector<8x128x1xi32>
    %get3A_6 = arith.constant 0 : index
    %get3A_7 = arith.constant 0 : index
    %get3A_8 = vector.load %arg4[%get3A_6, %get3A_7] : memref<8x768xf32, #tpu.memory_space<vmem>>, vector<1x768xf32>
    %get3A_9 = vector.shape_cast %get3A_8 : vector<1x768xf32> to vector<768xf32>
    %get3A_10 = arith.constant 1 : index
    %get3A_11 = arith.constant 0 : index
    %get3A_12 = vector.load %arg4[%get3A_10, %get3A_11] : memref<8x768xf32, #tpu.memory_space<vmem>>, vector<1x768xf32>
    %get3A_13 = vector.shape_cast %get3A_12 : vector<1x768xf32> to vector<768xf32>
    %get3A_14 = arith.constant 2 : index
    %get3A_15 = arith.constant 0 : index
    %get3A_16 = vector.load %arg4[%get3A_14, %get3A_15] : memref<8x768xf32, #tpu.memory_space<vmem>>, vector<1x768xf32>
    %get3A_17 = vector.shape_cast %get3A_16 : vector<1x768xf32> to vector<768xf32>
    %eq3A = arith.constant 0 : i32
    %eq3A_18 = vector.broadcast %eq3A : i32 to vector<8x128x1xi32>
    %eq3A_19 = arith.cmpi eq, %broadcast_in_dim3A, %eq3A_18 : vector<8x128x1xi32>
    %eq3A_20 = arith.constant 1 : i32
    %eq3A_21 = vector.broadcast %eq3A_20 : i32 to vector<8x128x1xi32>
    %eq3A_22 = arith.cmpi eq, %broadcast_in_dim3A, %eq3A_21 : vector<8x128x1xi32>
    %broadcast_in_dim3A_23 = vector.shape_cast %eq3A_22 : vector<8x128x1xi1> to vector<8x128x1xi1>
    %broadcast_in_dim3A_24 = vector.broadcast %broadcast_in_dim3A_23 : vector<8x128x1xi1> to vector<8x128x768xi1>
    %broadcast_in_dim3A_25 = vector.shape_cast %get3A_13 : vector<768xf32> to vector<1x1x768xf32>
    %broadcast_in_dim3A_26 = vector.broadcast %broadcast_in_dim3A_25 : vector<1x1x768xf32> to vector<8x128x768xf32>
    %broadcast_in_dim3A_27 = vector.shape_cast %get3A_17 : vector<768xf32> to vector<1x1x768xf32>
    %broadcast_in_dim3A_28 = vector.broadcast %broadcast_in_dim3A_27 : vector<1x1x768xf32> to vector<8x128x768xf32>
    %select_n3A = arith.select %broadcast_in_dim3A_24, %broadcast_in_dim3A_26, %broadcast_in_dim3A_28 : vector<8x128x768xi1>, vector<8x128x768xf32>
    %broadcast_in_dim3A_29 = vector.shape_cast %eq3A_19 : vector<8x128x1xi1> to vector<8x128x1xi1>
    %broadcast_in_dim3A_30 = vector.broadcast %broadcast_in_dim3A_29 : vector<8x128x1xi1> to vector<8x128x768xi1>
    %broadcast_in_dim3A_31 = vector.shape_cast %get3A_9 : vector<768xf32> to vector<1x1x768xf32>
    %broadcast_in_dim3A_32 = vector.broadcast %broadcast_in_dim3A_31 : vector<1x1x768xf32> to vector<8x128x768xf32>
    %select_n3A_33 = arith.select %broadcast_in_dim3A_30, %broadcast_in_dim3A_32, %select_n3A : vector<8x128x768xi1>, vector<8x128x768xf32>
    %get3A_34 = arith.constant 0 : index
    %get3A_35 = arith.constant 0 : index
    %get3A_36 = vector.load %arg3[%get3A_34, %get3A_35] : memref<128x768xf32, #tpu.memory_space<vmem>>, vector<128x768xf32>
    %broadcast_in_dim3A_37 = vector.shape_cast %get3A_36 : vector<128x768xf32> to vector<1x128x768xf32>
    %add3A = vector.broadcast %broadcast_in_dim3A_37 : vector<1x128x768xf32> to vector<8x128x768xf32>
    %add3A_38 = arith.addf %get3A_2, %add3A : vector<8x128x768xf32>
    %add3A_39 = arith.addf %add3A_38, %select_n3A_33 : vector<8x128x768xf32>
    %reduce_sum3A = arith.constant dense<0.000000e+00> : vector<8x128xf32>
    %reduce_sum3A_40 = vector.multi_reduction <add>, %add3A_39, %reduce_sum3A [2] : vector<8x128x768xf32> to vector<8x128xf32>
    %broadcast_in_dim3A_41 = vector.shape_cast %reduce_sum3A_40 : vector<8x128xf32> to vector<8x128x1xf32>
    %div3A = arith.constant 7.680000e+02 : f32
    %div3A_42 = vector.broadcast %div3A : f32 to vector<8x128x1xf32>
    %div3A_43 = arith.divf %broadcast_in_dim3A_41, %div3A_42 : vector<8x128x1xf32>
    %sub3A = vector.broadcast %div3A_43 : vector<8x128x1xf32> to vector<8x128x768xf32>
    %sub3A_44 = arith.subf %add3A_39, %sub3A : vector<8x128x768xf32>
    %mul3A = arith.mulf %sub3A_44, %sub3A_44 : vector<8x128x768xf32>
    %reduce_sum3A_45 = arith.constant dense<0.000000e+00> : vector<8x128xf32>
    %reduce_sum3A_46 = vector.multi_reduction <add>, %mul3A, %reduce_sum3A_45 [2] : vector<8x128x768xf32> to vector<8x128xf32>
    %broadcast_in_dim3A_47 = vector.shape_cast %reduce_sum3A_46 : vector<8x128xf32> to vector<8x128x1xf32>
    %div3A_48 = arith.constant 7.680000e+02 : f32
    %div3A_49 = vector.broadcast %div3A_48 : f32 to vector<8x128x1xf32>
    %div3A_50 = arith.divf %broadcast_in_dim3A_47, %div3A_49 : vector<8x128x1xf32>
    %add3A_51 = arith.constant 9.99999996E-13 : f32
    %add3A_52 = vector.broadcast %add3A_51 : f32 to vector<8x128x1xf32>
    %add3A_53 = arith.addf %div3A_50, %add3A_52 : vector<8x128x1xf32>
    %rsqrt3A = math.rsqrt %add3A_53 : vector<8x128x1xf32>
    %mul3A_54 = vector.broadcast %rsqrt3A : vector<8x128x1xf32> to vector<8x128x768xf32>
    %mul3A_55 = arith.mulf %sub3A_44, %mul3A_54 : vector<8x128x768xf32>
    %get3A_56 = arith.constant 0 : index
    %get3A_57 = vector.load %arg5[%get3A_56] : memref<768xf32, #tpu.memory_space<vmem>>, vector<768xf32>
    %broadcast_in_dim3A_58 = vector.shape_cast %get3A_57 : vector<768xf32> to vector<1x1x768xf32>
    %mul3A_59 = vector.broadcast %broadcast_in_dim3A_58 : vector<1x1x768xf32> to vector<8x128x768xf32>
    %mul3A_60 = arith.mulf %mul3A_55, %mul3A_59 : vector<8x128x768xf32>
    %get3A_61 = arith.constant 0 : index
    %get3A_62 = vector.load %arg6[%get3A_61] : memref<768xf32, #tpu.memory_space<vmem>>, vector<768xf32>
    %broadcast_in_dim3A_63 = vector.shape_cast %get3A_62 : vector<768xf32> to vector<1x1x768xf32>
    %add3A_64 = vector.broadcast %broadcast_in_dim3A_63 : vector<1x1x768xf32> to vector<8x128x768xf32>
    %add3A_65 = arith.addf %mul3A_60, %add3A_64 : vector<8x128x768xf32>
    %swap3A = arith.constant 0 : index
    %swap3A_66 = arith.constant 0 : index
    %swap3A_67 = arith.constant 0 : index
    %swap3A_68 = vector.load %arg8[%swap3A, %swap3A_66, %swap3A_67] : memref<8x128x768xf32, #tpu.memory_space<vmem>>, vector<8x128x768xf32>
    tpu.vector_store %arg8[%swap3A, %swap3A_66, %swap3A_67], %add3A_65 {strides = array<i32>} : memref<8x128x768xf32, #tpu.memory_space<vmem>>, vector<8x128x768xf32>,
    return
  }
  func.func @transform_0(%arg0: i32) -> (i32, i32, i32) {
    %c0_i32 = arith.constant 0 : i32
    %c0_i32_0 = arith.constant 0 : i32
    %c0_i32_1 = arith.constant 0 : i32
    return %arg0, %c0_i32, %c0_i32_0 : i32, i32, i32
  }
  func.func @transform_1(%arg0: i32) -> (i32, i32) {
    %c0_i32 = arith.constant 0 : i32
    %c0_i32_0 = arith.constant 0 : i32
    return %arg0, %c0_i32 : i32, i32
  }
  func.func @transform_2(%arg0: i32) -> (i32, i32) {
    %c0_i32 = arith.constant 0 : i32
    %c0_i32_0 = arith.constant 0 : i32
    %c0_i32_1 = arith.constant 0 : i32
    return %c0_i32, %c0_i32_0 : i32, i32
  }
  func.func @transform_3(%arg0: i32) -> (i32, i32) {
    %c0_i32 = arith.constant 0 : i32
    %c0_i32_0 = arith.constant 0 : i32
    %c0_i32_1 = arith.constant 0 : i32
    return %c0_i32, %c0_i32_0 : i32, i32
  }
  func.func @transform_4(%arg0: i32) -> i32 {
    %c0_i32 = arith.constant 0 : i32
    %c0_i32_0 = arith.constant 0 : i32
    return %c0_i32 : i32
  }
  func.func @transform_5(%arg0: i32) -> i32 {
    %c0_i32 = arith.constant 0 : i32
    %c0_i32_0 = arith.constant 0 : i32
    return %c0_i32 : i32
  }
  func.func @transform_7(%arg0: i32) -> (i32, i32, i32) {
    %add3A = arith.constant 64 : i32
    %add3A_0 = arith.addi %add3A, %arg0 : i32
    %c0_i32 = arith.constant 0 : i32
    %c0_i32_1 = arith.constant 0 : i32
    %c0_i32_2 = arith.constant 0 : i32
    return %add3A_0, %c0_i32, %c0_i32_1 : i32, i32, i32
  }
}

module attributes {stable_mosaic.version = 14 : i64} {
  func.func @_tc_body(%arg0: i32, %arg1: memref<8x128x768xf32, #tpu.memory_space<vmem>>, %arg2: memref<8x128xi32, #tpu.memory_space<vmem>>, %arg3: memref<128x768xf32, #tpu.memory_space<vmem>>, %arg4: memref<8x768xf32, #tpu.memory_space<vmem>>, %arg5: memref<768xf32, #tpu.memory_space<vmem>>, %arg6: memref<768xf32, #tpu.memory_space<vmem>>, %arg7: memref<8x128x768xf32, #tpu.memory_space<vmem>>) attributes {dimension_semantics = [#tpu.dimension_semantics<parallel>], iteration_bounds = array<i64: 64>, scalar_prefetch = 0 : i64, scratch_operands = 0 : i64, tpu.core_type = #tpu.core_type<tc>, window_params = [{transform_indices = @transform_0, window_bounds = array<i64: 8, 128, 768>}, {transform_indices = @transform_1, window_bounds = array<i64: 8, 128>}, {pipeline_mode = #tpu.pipeline_mode<synchronous>, transform_indices = @transform_2, window_bounds = array<i64: 128, 768>}, {pipeline_mode = #tpu.pipeline_mode<synchronous>, transform_indices = @transform_3, window_bounds = array<i64: 8, 768>}, {pipeline_mode = #tpu.pipeline_mode<synchronous>, transform_indices = @transform_4, window_bounds = array<i64: 768>}, {pipeline_mode = #tpu.pipeline_mode<synchronous>, transform_indices = @transform_5, window_bounds = array<i64: 768>}, {transform_indices = @transform_6, window_bounds = array<i64: 8, 128, 768>}]} {
    %get3A = arith.constant 0 : index
    %get3A_0 = arith.constant 0 : index
    %get3A_1 = arith.constant 0 : index
    %get3A_2 = vector.load %arg1[%get3A, %get3A_0, %get3A_1] : memref<8x128x768xf32, #tpu.memory_space<vmem>>, vector<8x128x768xf32>
    %get3A_3 = arith.constant 0 : index
    %get3A_4 = arith.constant 0 : index
    %get3A_5 = vector.load %arg2[%get3A_3, %get3A_4] : memref<8x128xi32, #tpu.memory_space<vmem>>, vector<8x128xi32>
    %broadcast_in_dim3A = vector.shape_cast %get3A_5 : vector<8x128xi32> to vector<8x128x1xi32>
    %get3A_6 = arith.constant 0 : index
    %get3A_7 = arith.constant 0 : index
    %get3A_8 = vector.load %arg4[%get3A_6, %get3A_7] : memref<8x768xf32, #tpu.memory_space<vmem>>, vector<1x768xf32>
    %get3A_9 = vector.shape_cast %get3A_8 : vector<1x768xf32> to vector<768xf32>
    %get3A_10 = arith.constant 1 : index
    %get3A_11 = arith.constant 0 : index
    %get3A_12 = vector.load %arg4[%get3A_10, %get3A_11] : memref<8x768xf32, #tpu.memory_space<vmem>>, vector<1x768xf32>
    %get3A_13 = vector.shape_cast %get3A_12 : vector<1x768xf32> to vector<768xf32>
    %get3A_14 = arith.constant 2 : index
    %get3A_15 = arith.constant 0 : index
    %get3A_16 = vector.load %arg4[%get3A_14, %get3A_15] : memref<8x768xf32, #tpu.memory_space<vmem>>, vector<1x768xf32>
    %get3A_17 = vector.shape_cast %get3A_16 : vector<1x768xf32> to vector<768xf32>
    %eq3A = arith.constant 0 : i32
    %eq3A_18 = vector.broadcast %eq3A : i32 to vector<8x128x1xi32>
    %eq3A_19 = arith.cmpi eq, %broadcast_in_dim3A, %eq3A_18 : vector<8x128x1xi32>
    %eq3A_20 = arith.constant 1 : i32
    %eq3A_21 = vector.broadcast %eq3A_20 : i32 to vector<8x128x1xi32>
    %eq3A_22 = arith.cmpi eq, %broadcast_in_dim3A, %eq3A_21 : vector<8x128x1xi32>
    %broadcast_in_dim3A_23 = vector.shape_cast %eq3A_22 : vector<8x128x1xi1> to vector<8x128x1xi1>
    %broadcast_in_dim3A_24 = vector.broadcast %broadcast_in_dim3A_23 : vector<8x128x1xi1> to vector<8x128x768xi1>
    %broadcast_in_dim3A_25 = vector.shape_cast %get3A_13 : vector<768xf32> to vector<1x1x768xf32>
    %broadcast_in_dim3A_26 = vector.broadcast %broadcast_in_dim3A_25 : vector<1x1x768xf32> to vector<8x128x768xf32>
    %broadcast_in_dim3A_27 = vector.shape_cast %get3A_17 : vector<768xf32> to vector<1x1x768xf32>
    %broadcast_in_dim3A_28 = vector.broadcast %broadcast_in_dim3A_27 : vector<1x1x768xf32> to vector<8x128x768xf32>
    %select_n3A = arith.select %broadcast_in_dim3A_24, %broadcast_in_dim3A_26, %broadcast_in_dim3A_28 : vector<8x128x768xi1>, vector<8x128x768xf32>
    %broadcast_in_dim3A_29 = vector.shape_cast %eq3A_19 : vector<8x128x1xi1> to vector<8x128x1xi1>
    %broadcast_in_dim3A_30 = vector.broadcast %broadcast_in_dim3A_29 : vector<8x128x1xi1> to vector<8x128x768xi1>
    %broadcast_in_dim3A_31 = vector.shape_cast %get3A_9 : vector<768xf32> to vector<1x1x768xf32>
    %broadcast_in_dim3A_32 = vector.broadcast %broadcast_in_dim3A_31 : vector<1x1x768xf32> to vector<8x128x768xf32>
    %select_n3A_33 = arith.select %broadcast_in_dim3A_30, %broadcast_in_dim3A_32, %select_n3A : vector<8x128x768xi1>, vector<8x128x768xf32>
    %get3A_34 = arith.constant 0 : index
    %get3A_35 = arith.constant 0 : index
    %get3A_36 = vector.load %arg3[%get3A_34, %get3A_35] : memref<128x768xf32, #tpu.memory_space<vmem>>, vector<128x768xf32>
    %broadcast_in_dim3A_37 = vector.shape_cast %get3A_36 : vector<128x768xf32> to vector<1x128x768xf32>
    %add3A = vector.broadcast %broadcast_in_dim3A_37 : vector<1x128x768xf32> to vector<8x128x768xf32>
    %add3A_38 = arith.addf %get3A_2, %add3A : vector<8x128x768xf32>
    %add3A_39 = arith.addf %add3A_38, %select_n3A_33 : vector<8x128x768xf32>
    %reduce_sum3A = arith.constant dense<0.000000e+00> : vector<8x128xf32>
    %reduce_sum3A_40 = vector.multi_reduction <add>, %add3A_39, %reduce_sum3A [2] : vector<8x128x768xf32> to vector<8x128xf32>
    %broadcast_in_dim3A_41 = vector.shape_cast %reduce_sum3A_40 : vector<8x128xf32> to vector<8x128x1xf32>
    %div3A = arith.constant 7.680000e+02 : f32
    %div3A_42 = vector.broadcast %div3A : f32 to vector<8x128x1xf32>
    %div3A_43 = arith.divf %broadcast_in_dim3A_41, %div3A_42 : vector<8x128x1xf32>
    %sub3A = vector.broadcast %div3A_43 : vector<8x128x1xf32> to vector<8x128x768xf32>
    %sub3A_44 = arith.subf %add3A_39, %sub3A : vector<8x128x768xf32>
    %mul3A = arith.mulf %sub3A_44, %sub3A_44 : vector<8x128x768xf32>
    %reduce_sum3A_45 = arith.constant dense<0.000000e+00> : vector<8x128xf32>
    %reduce_sum3A_46 = vector.multi_reduction <add>, %mul3A, %reduce_sum3A_45 [2] : vector<8x128x768xf32> to vector<8x128xf32>
    %broadcast_in_dim3A_47 = vector.shape_cast %reduce_sum3A_46 : vector<8x128xf32> to vector<8x128x1xf32>
    %div3A_48 = arith.constant 7.680000e+02 : f32
    %div3A_49 = vector.broadcast %div3A_48 : f32 to vector<8x128x1xf32>
    %div3A_50 = arith.divf %broadcast_in_dim3A_47, %div3A_49 : vector<8x128x1xf32>
    %add3A_51 = arith.constant 9.99999996E-13 : f32
    %add3A_52 = vector.broadcast %add3A_51 : f32 to vector<8x128x1xf32>
    %add3A_53 = arith.addf %div3A_50, %add3A_52 : vector<8x128x1xf32>
    %rsqrt3A = math.rsqrt %add3A_53 : vector<8x128x1xf32>
    %mul3A_54 = vector.broadcast %rsqrt3A : vector<8x128x1xf32> to vector<8x128x768xf32>
    %mul3A_55 = arith.mulf %sub3A_44, %mul3A_54 : vector<8x128x768xf32>
    %get3A_56 = arith.constant 0 : index
    %get3A_57 = vector.load %arg5[%get3A_56] : memref<768xf32, #tpu.memory_space<vmem>>, vector<768xf32>
    %broadcast_in_dim3A_58 = vector.shape_cast %get3A_57 : vector<768xf32> to vector<1x1x768xf32>
    %mul3A_59 = vector.broadcast %broadcast_in_dim3A_58 : vector<1x1x768xf32> to vector<8x128x768xf32>
    %mul3A_60 = arith.mulf %mul3A_55, %mul3A_59 : vector<8x128x768xf32>
    %get3A_61 = arith.constant 0 : index
    %get3A_62 = vector.load %arg6[%get3A_61] : memref<768xf32, #tpu.memory_space<vmem>>, vector<768xf32>
    %broadcast_in_dim3A_63 = vector.shape_cast %get3A_62 : vector<768xf32> to vector<1x1x768xf32>
    %add3A_64 = vector.broadcast %broadcast_in_dim3A_63 : vector<1x1x768xf32> to vector<8x128x768xf32>
    %add3A_65 = arith.addf %mul3A_60, %add3A_64 : vector<8x128x768xf32>
    %swap3A = arith.constant 0 : index
    %swap3A_66 = arith.constant 0 : index
    %swap3A_67 = arith.constant 0 : index
    %swap3A_68 = vector.load %arg7[%swap3A, %swap3A_66, %swap3A_67] : memref<8x128x768xf32, #tpu.memory_space<vmem>>, vector<8x128x768xf32>
    tpu.vector_store %arg7[%swap3A, %swap3A_66, %swap3A_67], %add3A_65 {strides = array<i32>} : memref<8x128x768xf32, #tpu.memory_space<vmem>>, vector<8x128x768xf32>,
    return
  }
  func.func @transform_0(%arg0: i32) -> (i32, i32, i32) {
    %c0_i32 = arith.constant 0 : i32
    %c0_i32_0 = arith.constant 0 : i32
    %c0_i32_1 = arith.constant 0 : i32
    return %arg0, %c0_i32, %c0_i32_0 : i32, i32, i32
  }
  func.func @transform_1(%arg0: i32) -> (i32, i32) {
    %c0_i32 = arith.constant 0 : i32
    %c0_i32_0 = arith.constant 0 : i32
    return %arg0, %c0_i32 : i32, i32
  }
  func.func @transform_2(%arg0: i32) -> (i32, i32) {
    %c0_i32 = arith.constant 0 : i32
    %c0_i32_0 = arith.constant 0 : i32
    %c0_i32_1 = arith.constant 0 : i32
    return %c0_i32, %c0_i32_0 : i32, i32
  }
  func.func @transform_3(%arg0: i32) -> (i32, i32) {
    %c0_i32 = arith.constant 0 : i32
    %c0_i32_0 = arith.constant 0 : i32
    %c0_i32_1 = arith.constant 0 : i32
    return %c0_i32, %c0_i32_0 : i32, i32
  }
  func.func @transform_4(%arg0: i32) -> i32 {
    %c0_i32 = arith.constant 0 : i32
    %c0_i32_0 = arith.constant 0 : i32
    return %c0_i32 : i32
  }
  func.func @transform_5(%arg0: i32) -> i32 {
    %c0_i32 = arith.constant 0 : i32
    %c0_i32_0 = arith.constant 0 : i32
    return %c0_i32 : i32
  }
  func.func @transform_6(%arg0: i32) -> (i32, i32, i32) {
    %add3A = arith.constant 0 : i32
    %add3A_0 = arith.addi %add3A, %arg0 : i32
    %c0_i32 = arith.constant 0 : i32
    %c0_i32_1 = arith.constant 0 : i32
    %c0_i32_2 = arith.constant 0 : i32
    return %add3A_0, %c0_i32, %c0_i32_1 : i32, i32, i32
  }
}

</mosaic_0001>

<sc_bundles>
// kernel: kernel.6.cloned.1.call-start
scs
__scs_entry_jumppad:
0x0: {  	(pc) =	sbr.rel $0x88, $3  }
0x1: {  	(tag) =	ssettag $0x0;
	lr =	simm.s32 $0x1  }
0x2: {  	[smem:$0x3F9A] =	sst lr;
	_ =	strace $0xD0000000  }
0x3: {  	_ = 	snop  }
0x4: {  	_ = 	snop  }
0x5: {  	_ = 	snop  }
0x6: {  	_ = 	snop  }
0x7: {  	_ = 	snop  }
__scs_overlays_trampoline_lowered:
0x8: {  	[smem:$0x3FA9] =	sst s0  }
0x9: {  	[smem:$0x3FAA] =	sst s1  }
0xa: {  	[smem:$0x3FAB] =	sst s2  }
0xb: {  	[smem:$0x3FAC] =	sst s3  }
0xc: {  	[smem:$0x3FAD] =	sst s4  }
0xd: {  	[smem:$0x3FAE] =	sst s5  }
0xe: {  	[smem:$0x3FAF] =	sst s6  }
0xf: {  	[smem:$0x3FB0] =	sst s7  }
0x10: {  	[smem:$0x3FB1] =	sst s8  }
0x11: {  	[smem:$0x3FB2] =	sst s9;
	s0 =	simm.s32 @!p0 $0x0  }
0x12: {  	s1 =	sld [smem:$0x3F98];
	s0 =	simm.s32 @p0 $0x1  }
0x13: {  	[smem:$0x3FB3] =	sst s0;
	s0 =	simm.s32 @!p1 $0x0  }
0x14: {  	s2 =	sld [smem:$0x3F97];
	s0 =	simm.s32 @p1 $0x1  }
0x15: {  	[smem:$0x3FB4] =	sst s0;
	s0 =	simm.s32 @!p2 $0x0  }
0x16: {  	s3 =	sld [smem:$0x3FDB];
	s0 =	simm.s32 @p2 $0x1  }
0x17: {  	s4 =	simm.s32 $0x1BF5;
	[smem:$0x3FB6] =	sst s0  }
0x18: {  	s0 =	sld [smem:$0x3F99];
	_ =	swait.ge [sflag:s4], $0x0  }
0x19: {  	s7 =	sld [smem:$0x3F9A]  }
0x1a: {  	s8 =	sadd.s32 $0xFFFFE003, lr  }
0x1b: {  	s9 =	sadd.s32 $0xFFFFFEF7, lr;
	s5 =	simm.s32 $0xFFFFFFFF;
	p2 =	slt.u32 s8, $0xFFFFF086  }
0x1c: {  	p1 =	slt.u32 s9, $0xF7A;
	s5 =	simm.s32 @!p2 $0x0  }
0x1d: {  	s5 =	simm.s32 @p1 $0x1;
	p0 =	seq.s32 s7, s2  }
0x1e: {  	s7 =	smul.u32 @!p0 $0xF7A, s2;
	p2 =	seq.s32 @!p0 s5, $0x0  }
0x1f: {  	s9 =	smul.u32 $0xF7A, s1;
	s8 =	simm.s32 @!p0 $0x1BF5;
	p2 =	por !p2, p0  }
0x20: {  	[sflag:s8] =	ssyncset.s32 @!p0 $0xFFFFF086;
	s6 =	sadd.s32 @!p0 s3, s7;
	s7 =	simm.s32 @!p0 $0x108  }
0x21: {  	s3 =	sadd.s32 s3, s9;
	s6 =	sadd.s32 @!p0 $0x88, s6;
	s7 =	simm.s32 @p2 $0x1082  }
0x22: {  	[simem:s7], [sflag:s8] =	dma.local @!p0 [hbm:s6], $0xF7A  }
0x23: {  	s9 =	sor.u32 $0xD0000000, s2;
	s6 =	simm.s32 $0x108;
	_ =	swait.ge @!p0 [sflag:s8], $0x0  }
0x24: {  	s3 =	sadd.s32 $0x88, s3;
	s6 =	simm.s32 @!p1 $0x1082;
	[sflag:s4] =	ssyncset.s32 $0xFFFFF086  }
0x25: {  	[simem:s6], [sflag:s4] =	dma.local [hbm:s3], $0xF7A  }
0x26: {  	[smem:$0x3F9A] =	sst s1;
	(tag) =	ssettag s2;
	_ =	strace s9  }
0x27: {  	s1 =	sld [smem:$0x3FAA]  }
0x28: {  	s2 =	sld [smem:$0x3FAB]  }
0x29: {  	s4 =	sld [smem:$0x3FAD]  }
0x2a: {  	p0 =	seq.s32 s5, $0x0;
	s5 =	sld [smem:$0x3FAE]  }
0x2b: {  	s6 =	sld [smem:$0x3FAF]  }
0x2c: {  	s7 =	sld [smem:$0x3FB0]  }
0x2d: {  	s3 =	simm.s32 $0x108;
	s8 =	sld [smem:$0x3FB1]  }
0x2e: {  	s3 =	simm.s32 @!p0 $0x1082;
	s9 =	sld [smem:$0x3FB2]  }
0x2f: {  	lr =	sadd.s32 s0, s3;
	s0 =	sld [smem:$0x3FA9]  }
0x30: {  	s3 =	sld [smem:$0x3FAC]  }
0x31: {  	[smem:$0x3FB5] =	sst s10  }
0x32: {  	s10 =	sld [smem:$0x3FB3];
	_ =	sdelay $0x3  }
0x33: {  	p0 =	seq.s32 s10, $0x1;
	s10 =	sld [smem:$0x3FB5];
	_ =	sdelay $0x3  }
0x34: {  	[smem:$0x3FB5] =	sst s10  }
0x35: {  	s10 =	sld [smem:$0x3FB4];
	_ =	sdelay $0x3  }
0x36: {  	p1 =	seq.s32 s10, $0x1;
	s10 =	sld [smem:$0x3FB5];
	_ =	sdelay $0x3  }
0x37: {  	[smem:$0x3FB5] =	sst s10  }
0x38: {  	s10 =	sld [smem:$0x3FB6]  }
0x39: {  	_ = 	snop;
	(pc) =	sbr.ind lr, $3  }
0x3a: {  	_ = 	snop  }
0x3b: {  	_ = 	snop  }
0x3c: {  	p2 =	seq.s32 s10, $0x1;
	s10 =	sld [smem:$0x3FB5]  }
0x3d: {  	_ =	shalt  }
0x3e: {  	_ =	shalt  }
0x3f: {  	_ =	shalt  }
0x40: {  	_ =	shalt  }
0x41: {  	_ =	shalt  }
0x42: {  	_ =	shalt  }
0x43: {  	_ =	shalt  }
0x44: {  	_ =	shalt  }
0x45: {  	_ =	shalt  }
0x46: {  	_ =	shalt  }
0x47: {  	_ =	shalt  }
0x48: {  	_ =	shalt  }
0x49: {  	_ =	shalt  }
0x4a: {  	_ =	shalt  }
0x4b: {  	_ =	shalt  }
0x4c: {  	_ =	shalt  }
0x4d: {  	_ =	shalt  }
0x4e: {  	_ =	shalt  }
0x4f: {  	_ =	shalt  }
0x50: {  	_ =	shalt  }
0x51: {  	_ =	shalt  }
0x52: {  	_ =	shalt  }
0x53: {  	_ =	shalt  }
0x54: {  	_ =	shalt  }
0x55: {  	_ =	shalt  }
0x56: {  	_ =	shalt  }
0x57: {  	_ =	shalt  }
0x58: {  	_ =	shalt  }
0x59: {  	_ =	shalt  }
0x5a: {  	_ =	shalt  }
0x5b: {  	_ =	shalt  }
0x5c: {  	_ =	shalt  }
0x5d: {  	_ =	shalt  }
0x5e: {  	_ =	shalt  }
0x5f: {  	_ =	shalt  }
0x60: {  	_ =	shalt  }
0x61: {  	_ =	shalt  }
0x62: {  	_ =	shalt  }
0x63: {  	_ =	shalt  }
0x64: {  	_ =	shalt  }
0x65: {  	_ =	shalt  }
0x66: {  	_ =	shalt  }
0x67: {  	_ =	shalt  }
0x68: {  	_ =	shalt  }
0x69: {  	_ =	shalt  }
0x6a: {  	_ =	shalt  }
0x6b: {  	_ =	shalt  }
0x6c: {  	_ =	shalt  }
0x6d: {  	_ =	shalt  }
0x6e: {  	_ =	shalt  }
0x6f: {  	_ =	shalt  }
0x70: {  	_ =	shalt  }
0x71: {  	_ =	shalt  }
0x72: {  	_ =	shalt  }
0x73: {  	_ =	shalt  }
0x74: {  	_ =	shalt  }
0x75: {  	_ =	shalt  }
0x76: {  	_ =	shalt  }
0x77: {  	_ =	shalt  }
0x78: {  	_ =	shalt  }
0x79: {  	_ =	shalt  }
0x7a: {  	_ =	shalt  }
0x7b: {  	_ =	shalt  }
0x7c: {  	_ =	shalt  }
0x7d: {  	_ =	shalt  }
0x7e: {  	_ =	shalt  }
0x7f: {  	_ =	shalt  }
0x80: {  	_ =	shalt  }
0x81: {  	_ =	shalt  }
0x82: {  	_ =	shalt  }
0x83: {  	_ =	shalt  }
0x84: {  	_ =	shalt  }
0x85: {  	_ =	shalt  }
0x86: {  	_ =	shalt  }
0x87: {  	_ =	shalt  }
.Lfunc_end0:
.L_simem_size_0:
called_computation_lowered:
.L_overlay_start_0:
0x88: {  	s2 =	sld [smem:$0x3FD9]  }
0x89: {  	s3 =	sld [smem:$0x3FFE];
	_ =	sdelay $0x1  }
0x8a: {  	s1 =	srdreg.scid  }
0x8b: {  	s0 =	sand.u32 $0x1, s1  }
0x8c: {  	s17 =	sshll.u32 s0, $0xA;
	s2 =	sadd.s32 s3, s2  }
0x8d: {  	s2 =	sadd.s32 s2, s17  }
0x8e: {  	[smem:$0x3FC1] =	sst s2  }
0x8f: {  	_ = 	snop  }
0x90: {  	s2 =	sld [smem:$0x3FC7]  }
0x91: {  	s18 =	sld [smem:$0x3FD0];
	(tm) =	ssettm $0x1  }
0x92: {  	s4 =	sld [smem:$0x3FFB];
	_ =	sdelay $0x3  }
0x93: {  	_ =	strace s4  }
0x94: {  	s4 =	sld [smem:$0x3FFC];
	_ =	sdelay $0x3  }
0x95: {  	_ =	strace s4  }
0x96: {  	s4 =	sld [smem:$0x3FFD];
	_ =	sdelay $0x3  }
0x97: {  	_ =	strace s4  }
0x98: {  	_ =	strace $0x8FFFFFFF  }
0x99: {  	s19 =	sld [smem:$0x3FDB];
	_ =	sdelay $0x1  }
0x9a: {  	s5 =	simm.s32 $_scs_section_size  }
0x9b: {  	s6 =	simm.s32 $_size__tile_overlayer_lowered;
	s7 =	simm.s32 $_tile_overlayer_lowered  }
0x9c: {  	s22 =	simm.s32 $0x1BFF;
	s21 =	sshll.u32 s7, $0x1;
	s4 =	sadd.s32 s5, s19  }
0x9d: {  	s8 =	simm.s32 $0x0;
	s20 =	sshll.u32 s6, $0x1;
	s6 =	sadd.s32 s21, s4  }
0x9e: {  	[timem:s8], [sflag:s22] =	dma.local [hbm:s6], s20  }
0x9f: {  	_ =	swait.ge [sflag:s22], s20  }
0xa0: {  	s5 =	ssub.s32 $0x0, s20;
	[sflag:s22] =	ssyncset.done $0x0  }
0xa1: {  	[sflag:s22] =	ssyncadd.s32 s5;
	_ =	sdelay $0x1  }
0xa2: {  	s23 =	simm.s32 $0x1B8B  }
0xa3: {  	_ =	swait.ge [sflag:s23], $0x1  }
0xa4: {  	[sflag:s23] =	ssyncset.done $0x0  }
0xa5: {  	s25 =	simm.s32 $0x1B8E;
	s24 =	sld [smem:$0x3FFE];
	[sflag:s23] =	ssyncadd.s32 $0xFFFFFFFF  }
0xa6: {  	s26 =	simm.s32 $execute0_lowered;
	[smem:$0x3FD2] =	sst s25  }
0xa7: {  	s6 =	sshll.u32 s26, $0x1;
	_ =	strace $0x80000046;
	[dreg:$0x1] =	wrdreg $0xFFFFFFFF  }
0xa8: {  	s28 =	simm.s32 $_size_execute0_lowered;
	s4 =	sadd.s32 s4, s6;
	[dreg:$0x0] =	wrdreg $0x0  }
0xa9: {  	s6 =	sshll.u32 s28, $0x1;
	[dreg:$0x2] =	wrdreg s4  }
0xaa: {  	[dreg:$0x3] =	wrdreg s6  }
0xab: {  	[dreg:$0x4] =	wrdreg $0xC0  }
0xac: {  	_ =	task [dreg:s8], $0x5FFFF  }
0xad: {  	[dreg:$0x1] =	wrdreg $0xFFFFFFFF  }
0xae: {  	[dreg:$0x0] =	wrdreg $0x60  }
0xaf: {  	[dreg:$0x2] =	wrdreg s2  }
0xb0: {  	[dreg:$0x3] =	wrdreg s18  }
0xb1: {  	[dreg:$0x4] =	wrdreg s24  }
0xb2: {  	[dreg:$0x5] =	wrdreg $0x9  }
0xb3: {  	_ =	task.clear_ibuf [dreg:s8], $0x6FFFF;
	_ =	strace $0x90000046  }
0xb4: {  	s29 =	simm.s32 $0x9;
	_ =	strace $0x80000048  }
0xb5: {  	_ =	swait.ge [sflag:s29], $0x1  }
0xb6: {  	[sflag:s29] =	ssyncadd.s32 $0xFFFFFFFF  }
0xb7: {  	_ =	strace $0x90000048  }
0xb8: {  	_ =	sfence  }
0xb9: {  	s30 =	sld [smem:$0x0];
	_ =	sdelay $0x2  }
0xba: {  	s31 =	sshll.u32 s1, $0xD;
	s1 =	sshrl.u32 s1, $0x2  }
0xbb: {  	s3 =	sand.u32 $0x4000, s31;
	s1 =	sadd.s32 s1, s30  }
0xbc: {  	s0 =	sor.u32 s3, s0;
	s1 =	sshll.u32 s1, $0x11  }
0xbd: {  	s0 =	sor.u32 s1, s0  }
0xbe: {  	s0 =	sadd.s32 $0x8F2B, s0  }
0xbf: {  	[sflag:s0] =	ssyncadd.remote.s32 $0x1  }
0xc0: {  	_ =	sfence.sel $0xFFFF  }
0xc1: {  	[dreg:$0x0] =	wrdreg $0xFFFFFFFF;
	(pc) =	sbr.abs _section_cstart, $3  }
0xc2: {  	[dreg:$0x1] =	wrdreg $0xFFFFFFFF  }
0xc3: {  	_ =	task.clear_ibuf [dreg:s8], $0x2FFFF;
	_ =	strace $0x9FFFFFFF  }
0xc4: {  	(tm) =	ssettm $0x7FFFFFFF  }
0xc5: {  	_ =	shalt  }
tec
execute0_lowered:
.L_overlay_start_1:
0x0: {  	(tag) =	ssettag $0x1  }
0x1: {  	s1 =	rddreg [dreg:$0x0]  }
0x2: {  	s2 =	rddreg [dreg:$0x1];
	s3 =	stileid.u32  }
0x3: {  	s4 =	rddreg [dreg:$0x2];
	s5 =	sshll.u32 s3, $0xC;
	s3 =	simm.s32 $0x0  }
0x4: {  	s15 =	simm.s32 $0x900;
	[smem:$0x7FF] =	sst s3  }
0x5: {  	s16 =	simm.s32 $0x1100;
	_ =	strace $0x80000047;
	[dreg:$0x5] =	wrdreg s15  }
0x6: {  	s17 =	simm.s32 $0x1900;
	[dreg:$0x6] =	wrdreg s16  }
0x7: {  	s18 =	simm.s32 $0x2100;
	[dreg:$0x7] =	wrdreg s17  }
0x8: {  	s19 =	simm.s32 $0x2900;
	[dreg:$0x8] =	wrdreg s18  }
0x9: {  	s20 =	simm.s32 $0x3100;
	[dreg:$0x9] =	wrdreg s19  }
0xa: {  	s21 =	simm.s32 $0x3900;
	[dreg:$0xa] =	wrdreg s20  }
0xb: {  	s22 =	simm.s32 $0x4100;
	[dreg:$0xb] =	wrdreg s21  }
0xc: {  	s23 =	simm.s32 $0x4900;
	[dreg:$0xc] =	wrdreg s22  }
0xd: {  	s24 =	simm.s32 $0x5100;
	[dreg:$0xd] =	wrdreg s23  }
0xe: {  	s25 =	simm.s32 $0x5900;
	[dreg:$0xe] =	wrdreg s24  }
0xf: {  	s26 =	simm.s32 $0x6100;
	[dreg:$0xf] =	wrdreg s25  }
0x10: {  	s31 =	simm.s32 $0x6900;
	[dreg:$0x10] =	wrdreg s26  }
0x11: {  	s7 =	simm.s32 $0x7900;
	[dreg:$0x11] =	wrdreg s31  }
0x12: {  	s8 =	simm.s32 $0x8100;
	[dreg:$0x13] =	wrdreg s7  }
0x13: {  	s9 =	simm.s32 $0x8900;
	[dreg:$0x14] =	wrdreg s8  }
0x14: {  	s0 =	srdreg.scid;
	s10 =	simm.s32 $0x9100;
	[dreg:$0x15] =	wrdreg s9  }
0x15: {  	s11 =	simm.s32 $0x9900;
	s12 =	simm.s32 $0xA100;
	[dreg:$0x16] =	wrdreg s10  }
0x16: {  	s13 =	simm.s32 $0xA900;
	s14 =	simm.s32 $0xB100;
	[dreg:$0x17] =	wrdreg s11  }
0x17: {  	s28 =	simm.s32 $0x3;
	s0 =	sand.u32 $0x1, s0;
	[dreg:$0x18] =	wrdreg s12  }
0x18: {  	s29 =	simm.s32 $0x4;
	s6 =	sshll.u32 s0, $0xB;
	[dreg:$0x19] =	wrdreg s13  }
0x19: {  	s5 =	sor.u32 s6, s5;
	s6 =	simm.s32 $0x7100;
	[dreg:$0x1a] =	wrdreg s14  }
0x1a: {  	s30 =	simm.s32 $0x0;
	s15 =	simm.s32 $0xB900;
	[dreg:$0x12] =	wrdreg s6  }
0x1b: {  	s0 =	ssub.s32 $0x2, s0;
	s16 =	simm.s32 $0x80;
	[dreg:$0x1b] =	wrdreg s15  }
0x1c: {  	s17 =	simm.s32 $0xC900;
	s18 =	sshrl.u32 s0, $0x1;
	[dreg:$0x1c] =	wrdreg s16  }
0x1d: {  	s19 =	simm.s32 $0xD100;
	s20 =	simm.s32 $0xD900;
	[dreg:$0x1d] =	wrdreg s17  }
0x1e: {  	s21 =	simm.s32 $0xE100;
	s22 =	simm.s32 $0xE900;
	[dreg:$0x1e] =	wrdreg s19  }
0x1f: {  	s23 =	simm.s32 $0xF100;
	s25 =	simm.s32 $0xF900;
	[dreg:$0x1f] =	wrdreg s20  }
0x20: {  	s8 =	simm.s32 $0x5;
	s26 =	simm.s32 $0x10100;
	[smem:$0x7F6] =	sst s21  }
0x21: {  	s9 =	simm.s32 $0x100;
	s31 =	simm.s32 $0x10900;
	[smem:$0x7F8] =	sst s22  }
0x22: {  	s10 =	simm.s32 $0xC100;
	s11 =	simm.s32 $0x11100;
	[smem:$0x7FA] =	sst s23  }
0x23: {  	s12 =	simm.s32 $0x11900;
	s13 =	simm.s32 $0x12100;
	[smem:$0x7FB] =	sst s25  }
0x24: {  	s14 =	simm.s32 $0x12900;
	s5 =	sshrl.u32 s5, $0x3;
	[smem:$0x7FC] =	sst s26  }
0x25: {  	s0 =	ssub.s32 s0, s18;
	[smem:$0x7FD] =	sst s31;
	s15 =	simm.s32 $0x13100  }
0x26: {  	s16 =	simm.s32 $0x13900;
	s17 =	simm.s32 $0x14100;
	s18 =	simm.s32 $0x14900  }
0x27: {  	s19 =	simm.s32 $0x15100;
	s20 =	simm.s32 $0x15900;
	s21 =	simm.s32 $0x16100  }
0x28: {  	s22 =	simm.s32 $0x16900;
	s2 =	sadd.s32 s5, s2;
	s5 =	smul.u32 $0x300, s5  }
0x29: {  	s23 =	simm.s32 $0x17100;
	s25 =	simm.s32 $0x1;
	s26 =	simm.s32 $0x2  }
0x2a: {  	v2 =	vlaneseq.u32;
	s0 =	smax.u32 s0, $0x1;
	[dreg:$0x4] =	wrdreg s2;
	s7 =	sadd.s32 s5, s4  }
0x2b: {  	vm0 =	vmmov $0xffff;
	v1 =	vshrl.u32 v2, $0x3;
	[smem:$0x7F7] =	sst s0;
	s4 =	sadd.s32 $0x100, s1;
	s24 =	sadd.s32 $0x5000, s7  }
0x2c: {  	v0 =	vand.u32 $0x7, v2;
	v2 =	vor.u32 $0x8, v2;
	v1 =	vmul.u32 $0x8, v1;
	s5 =	sadd.s32 $0x200, s1;
	[smem:$0x7F9] =	sst s24;
	s24 =	simm.s32 $0x17900  }
.LBB2_1:
0x2d: {  	s31 =	sld [smem:$0x7F9];
	s2 =	simm.s32 $0x0  }
.LBB2_2:
0x2e: {  	p0 =	seq.s32 s2, $0x0  }
0x2f: {  	s0 =	simm.s32 @!p0 $0x3  }
0x30: {  	_ =	swait.ge @!p0 [sflag:s0], $0xC000  }
0x31: {  	[sflag:s0] =	ssyncset.done @!p0 $0x0  }
0x32: {  	[sflag:s0] =	ssyncadd.s32 @!p0 $0xFFFF4000;
	s0 =	simm.s32 @!p0 $0x4  }
0x33: {  	_ =	swait.ge @!p0 [sflag:s0], $0xC000  }
0x34: {  	s6 =	rddreg [dreg:$0x4];
	[sflag:s0] =	ssyncset.done @!p0 $0x0  }
0x35: {  	[sflag:s0] =	ssyncadd.s32 @!p0 $0xFFFF4000;
	s0 =	sadd.s32 s2, s6  }
0x36: {  	[tilespmem:s3], [sflag:$0x5] =	stream.linear.gather [hbm4b:s0+s3], $0x40, $0x38;
	[tilespmem:$0x18100] =	vst v63  }
0x37: {  	_ =	swait.ge [sflag:s8], $0x40  }
0x38: {  	[sflag:s8] =	ssyncset.done $0x0  }
0x39: {  	[sflag:s8] =	ssyncadd.s32 $0xFFFFFFC0  }
0x3a: {  	v3 =	vld [tilespmem:$0x0];
	_ =	sdelay $0x4  }
0x3b: {  	v4 =	vshrl.u32 v3, $0x3  }
0x3c: {  	v4 =	vmul.u32 $0x30, v4  }
0x3d: {  	v3 =	vand.u32 $0x7, v3  }
0x3e: {  	v3 =	vor.u32 v3, v4  }
0x3f: {  	v4 =	vperm.xlane v3, v0;
	_ =	sdelay $0x1  }
0x40: {  	v4 =	vadd.s32 v1, v4;
	_ =	sdelay $0x3  }
0x41: {  	v3 =	vperm.xlane v3, v2  }
0x42: {  	[tilespmem:s9], [sflag:$0x1] =	stream.indirect_vreg.gather [hbm4b:s1+s3], $0x80, v4, vm0, $0xb8;
	[tilespmem:$0x18100] =	vst v63  }
0x43: {  	s6 =	rddreg [dreg:$0x5];
	v3 =	vadd.s32 v1, v3  }
0x44: {  	[tilespmem:s6], [sflag:$0x1] =	stream.indirect_vreg.gather [hbm4b:s4+s3], $0x80, v4, vm0, $0xb8;
	[tilespmem:$0x18100] =	vst v63  }
0x45: {  	s7 =	rddreg [dreg:$0x6]  }
0x46: {  	[tilespmem:s7], [sflag:$0x1] =	stream.indirect_vreg.gather [hbm4b:s5+s3], $0x80, v4, vm0, $0xb8;
	[tilespmem:$0x18100] =	vst v63  }
0x47: {  	s6 =	rddreg [dreg:$0x7]  }
0x48: {  	[tilespmem:s6], [sflag:$0x1] =	stream.indirect_vreg.gather [hbm4b:s1+s3], $0x80, v3, vm0, $0xb8;
	[tilespmem:$0x18100] =	vst v63  }
0x49: {  	s7 =	rddreg [dreg:$0x8]  }
0x4a: {  	[tilespmem:s7], [sflag:$0x1] =	stream.indirect_vreg.gather [hbm4b:s4+s3], $0x80, v3, vm0, $0xb8;
	[tilespmem:$0x18100] =	vst v63  }
0x4b: {  	s6 =	rddreg [dreg:$0x9]  }
0x4c: {  	[tilespmem:s6], [sflag:$0x1] =	stream.indirect_vreg.gather [hbm4b:s5+s3], $0x80, v3, vm0, $0xb8;
	[tilespmem:$0x18100] =	vst v63  }
0x4d: {  	v3 =	vld [tilespmem:$0x10];
	_ =	sdelay $0x4  }
0x4e: {  	v57 =	vshrl.u32 v3, $0x3  }
0x4f: {  	v4 =	vmul.u32 $0x30, v57  }
0x50: {  	v3 =	vand.u32 $0x7, v3  }
0x51: {  	v3 =	vor.u32 v3, v4  }
0x52: {  	v4 =	vperm.xlane v3, v0;
	_ =	sdelay $0x1  }
0x53: {  	v4 =	vadd.s32 v1, v4;
	_ =	sdelay $0x3  }
0x54: {  	s6 =	rddreg [dreg:$0xa];
	v3 =	vperm.xlane v3, v2  }
0x55: {  	[tilespmem:s6], [sflag:$0x1] =	stream.indirect_vreg.gather [hbm4b:s1+s3], $0x80, v4, vm0, $0xb8;
	[tilespmem:$0x18100] =	vst v63  }
0x56: {  	s7 =	rddreg [dreg:$0xb];
	v3 =	vadd.s32 v1, v3  }
0x57: {  	[tilespmem:s7], [sflag:$0x1] =	stream.indirect_vreg.gather [hbm4b:s4+s3], $0x80, v4, vm0, $0xb8;
	[tilespmem:$0x18100] =	vst v63  }
0x58: {  	s6 =	rddreg [dreg:$0xc]  }
0x59: {  	[tilespmem:s6], [sflag:$0x1] =	stream.indirect_vreg.gather [hbm4b:s5+s3], $0x80, v4, vm0, $0xb8;
	[tilespmem:$0x18100] =	vst v63  }
0x5a: {  	s7 =	rddreg [dreg:$0xd]  }
0x5b: {  	[tilespmem:s7], [sflag:$0x1] =	stream.indirect_vreg.gather [hbm4b:s1+s3], $0x80, v3, vm0, $0xb8;
	[tilespmem:$0x18100] =	vst v63  }
0x5c: {  	s6 =	rddreg [dreg:$0xe]  }
0x5d: {  	[tilespmem:s6], [sflag:$0x1] =	stream.indirect_vreg.gather [hbm4b:s4+s3], $0x80, v3, vm0, $0xb8;
	[tilespmem:$0x18100] =	vst v63  }
0x5e: {  	s7 =	rddreg [dreg:$0xf]  }
0x5f: {  	[tilespmem:s7], [sflag:$0x1] =	stream.indirect_vreg.gather [hbm4b:s5+s3], $0x80, v3, vm0, $0xb8;
	[tilespmem:$0x18100] =	vst v63  }
0x60: {  	v3 =	vld [tilespmem:$0x20];
	_ =	sdelay $0x4  }
0x61: {  	v58 =	vshrl.u32 v3, $0x3  }
0x62: {  	v4 =	vmul.u32 $0x30, v58  }
0x63: {  	v3 =	vand.u32 $0x7, v3  }
0x64: {  	v3 =	vor.u32 v3, v4  }
0x65: {  	v4 =	vperm.xlane v3, v0;
	_ =	sdelay $0x1  }
0x66: {  	v4 =	vadd.s32 v1, v4;
	_ =	sdelay $0x3  }
0x67: {  	s6 =	rddreg [dreg:$0x10];
	v3 =	vperm.xlane v3, v2  }
0x68: {  	[tilespmem:s6], [sflag:$0x1] =	stream.indirect_vreg.gather [hbm4b:s1+s3], $0x80, v4, vm0, $0xb8;
	[tilespmem:$0x18100] =	vst v63  }
0x69: {  	s7 =	rddreg [dreg:$0x11];
	v3 =	vadd.s32 v1, v3  }
0x6a: {  	[tilespmem:s7], [sflag:$0x1] =	stream.indirect_vreg.gather [hbm4b:s4+s3], $0x80, v4, vm0, $0xb8;
	[tilespmem:$0x18100] =	vst v63  }
0x6b: {  	s6 =	rddreg [dreg:$0x12]  }
0x6c: {  	[tilespmem:s6], [sflag:$0x1] =	stream.indirect_vreg.gather [hbm4b:s5+s3], $0x80, v4, vm0, $0xb8;
	[tilespmem:$0x18100] =	vst v63  }
0x6d: {  	s7 =	rddreg [dreg:$0x13]  }
0x6e: {  	[tilespmem:s7], [sflag:$0x1] =	stream.indirect_vreg.gather [hbm4b:s1+s3], $0x80, v3, vm0, $0xb8;
	[tilespmem:$0x18100] =	vst v63  }
0x6f: {  	s6 =	rddreg [dreg:$0x14]  }
0x70: {  	[tilespmem:s6], [sflag:$0x1] =	stream.indirect_vreg.gather [hbm4b:s4+s3], $0x80, v3, vm0, $0xb8;
	[tilespmem:$0x18100] =	vst v63  }
0x71: {  	s7 =	rddreg [dreg:$0x15]  }
0x72: {  	[tilespmem:s7], [sflag:$0x1] =	stream.indirect_vreg.gather [hbm4b:s5+s3], $0x80, v3, vm0, $0xb8;
	[tilespmem:$0x18100] =	vst v63  }
0x73: {  	v3 =	vld [tilespmem:$0x30];
	_ =	sdelay $0x4  }
0x74: {  	v59 =	vshrl.u32 v3, $0x3  }
0x75: {  	v4 =	vmul.u32 $0x30, v59  }
0x76: {  	v3 =	vand.u32 $0x7, v3  }
0x77: {  	v3 =	vor.u32 v3, v4  }
0x78: {  	v4 =	vperm.xlane v3, v0;
	_ =	sdelay $0x1  }
0x79: {  	v4 =	vadd.s32 v1, v4;
	_ =	sdelay $0x3  }
0x7a: {  	s6 =	rddreg [dreg:$0x16];
	v3 =	vperm.xlane v3, v2  }
0x7b: {  	[tilespmem:s6], [sflag:$0x1] =	stream.indirect_vreg.gather [hbm4b:s1+s3], $0x80, v4, vm0, $0xb8;
	[tilespmem:$0x18100] =	vst v63  }
0x7c: {  	s7 =	rddreg [dreg:$0x17];
	v3 =	vadd.s32 v1, v3  }
0x7d: {  	[tilespmem:s7], [sflag:$0x1] =	stream.indirect_vreg.gather [hbm4b:s4+s3], $0x80, v4, vm0, $0xb8;
	[tilespmem:$0x18100] =	vst v63  }
0x7e: {  	s6 =	rddreg [dreg:$0x18]  }
0x7f: {  	[tilespmem:s6], [sflag:$0x1] =	stream.indirect_vreg.gather [hbm4b:s5+s3], $0x80, v4, vm0, $0xb8;
	[tilespmem:$0x18100] =	vst v63  }
0x80: {  	s7 =	rddreg [dreg:$0x19]  }
0x81: {  	[tilespmem:s7], [sflag:$0x1] =	stream.indirect_vreg.gather [hbm4b:s1+s3], $0x80, v3, vm0, $0xb8;
	[tilespmem:$0x18100] =	vst v63  }
0x82: {  	s6 =	rddreg [dreg:$0x1a]  }
0x83: {  	[tilespmem:s6], [sflag:$0x1] =	stream.indirect_vreg.gather [hbm4b:s4+s3], $0x80, v3, vm0, $0xb8;
	[tilespmem:$0x18100] =	vst v63  }
0x84: {  	s7 =	rddreg [dreg:$0x1b]  }
0x85: {  	[tilespmem:s7], [sflag:$0x1] =	stream.indirect_vreg.gather [hbm4b:s5+s3], $0x80, v3, vm0, $0xb8;
	[tilespmem:$0x18100] =	vst v63  }
0x86: {  	s0 =	sadd.s32 $0x8, s0;
	s6 =	rddreg [dreg:$0x1c]  }
0x87: {  	[tilespmem:s6], [sflag:$0x5] =	stream.linear.gather [hbm4b:s0+s3], $0x40, $0x38;
	[tilespmem:$0x18100] =	vst v63  }
0x88: {  	_ =	swait.ge [sflag:s8], $0x40  }
0x89: {  	[sflag:s8] =	ssyncset.done $0x0  }
0x8a: {  	[sflag:s8] =	ssyncadd.s32 $0xFFFFFFC0  }
0x8b: {  	v3 =	vld [tilespmem:$0x80];
	_ =	sdelay $0x4  }
0x8c: {  	v60 =	vshrl.u32 v3, $0x3  }
0x8d: {  	v4 =	vmul.u32 $0x30, v60  }
0x8e: {  	v3 =	vand.u32 $0x7, v3  }
0x8f: {  	v3 =	vor.u32 v3, v4  }
0x90: {  	v4 =	vperm.xlane v3, v0;
	_ =	sdelay $0x1  }
0x91: {  	v4 =	vadd.s32 v1, v4;
	_ =	sdelay $0x3  }
0x92: {  	s7 =	rddreg [dreg:$0x1d];
	v3 =	vperm.xlane v3, v2  }
0x93: {  	[tilespmem:s10], [sflag:$0x2] =	stream.indirect_vreg.gather [hbm4b:s1+s3], $0x80, v4, vm0, $0xb8;
	[tilespmem:$0x18100] =	vst v63  }
0x94: {  	s6 =	rddreg [dreg:$0x1e];
	v3 =	vadd.s32 v1, v3  }
0x95: {  	[tilespmem:s7], [sflag:$0x2] =	stream.indirect_vreg.gather [hbm4b:s4+s3], $0x80, v4, vm0, $0xb8;
	[tilespmem:$0x18100] =	vst v63  }
0x96: {  	s7 =	rddreg [dreg:$0x1f]  }
0x97: {  	[tilespmem:s6], [sflag:$0x2] =	stream.indirect_vreg.gather [hbm4b:s5+s3], $0x80, v4, vm0, $0xb8;
	[tilespmem:$0x18100] =	vst v63  }
0x98: {  	s6 =	sld [smem:$0x7F6]  }
0x99: {  	[tilespmem:s7], [sflag:$0x2] =	stream.indirect_vreg.gather [hbm4b:s1+s3], $0x80, v3, vm0, $0xb8;
	[tilespmem:$0x18100] =	vst v63  }
0x9a: {  	s7 =	sld [smem:$0x7F8]  }
0x9b: {  	[tilespmem:s6], [sflag:$0x2] =	stream.indirect_vreg.gather [hbm4b:s4+s3], $0x80, v3, vm0, $0xb8;
	[tilespmem:$0x18100] =	vst v63  }
0x9c: {  	_ = 	snop  }
0x9d: {  	[tilespmem:s7], [sflag:$0x2] =	stream.indirect_vreg.gather [hbm4b:s5+s3], $0x80, v3, vm0, $0xb8;
	[tilespmem:$0x18100] =	vst v63  }
0x9e: {  	v3 =	vld [tilespmem:$0x90];
	_ =	sdelay $0x4  }
0x9f: {  	v61 =	vshrl.u32 v3, $0x3  }
0xa0: {  	v4 =	vmul.u32 $0x30, v61  }
0xa1: {  	v3 =	vand.u32 $0x7, v3  }
0xa2: {  	v3 =	vor.u32 v3, v4  }
0xa3: {  	v4 =	vperm.xlane v3, v0;
	_ =	sdelay $0x1  }
0xa4: {  	v4 =	vadd.s32 v1, v4;
	_ =	sdelay $0x1  }
0xa5: {  	s6 =	sld [smem:$0x7FA];
	_ =	sdelay $0x1  }
0xa6: {  	s7 =	sld [smem:$0x7FB];
	v3 =	vperm.xlane v3, v2  }
0xa7: {  	[tilespmem:s6], [sflag:$0x2] =	stream.indirect_vreg.gather [hbm4b:s1+s3], $0x80, v4, vm0, $0xb8;
	[tilespmem:$0x18100] =	vst v63  }
0xa8: {  	s0 =	sld [smem:$0x7FC];
	v3 =	vadd.s32 v1, v3  }
0xa9: {  	[tilespmem:s7], [sflag:$0x2] =	stream.indirect_vreg.gather [hbm4b:s4+s3], $0x80, v4, vm0, $0xb8;
	[tilespmem:$0x18100] =	vst v63  }
0xaa: {  	s7 =	sld [smem:$0x7FD]  }
0xab: {  	[tilespmem:s0], [sflag:$0x2] =	stream.indirect_vreg.gather [hbm4b:s5+s3], $0x80, v4, vm0, $0xb8;
	[tilespmem:$0x18100] =	vst v63  }
0xac: {  	_ = 	snop  }
0xad: {  	[tilespmem:s7], [sflag:$0x2] =	stream.indirect_vreg.gather [hbm4b:s1+s3], $0x80, v3, vm0, $0xb8;
	[tilespmem:$0x18100] =	vst v63  }
0xae: {  	_ = 	snop  }
0xaf: {  	[tilespmem:s11], [sflag:$0x2] =	stream.indirect_vreg.gather [hbm4b:s4+s3], $0x80, v3, vm0, $0xb8;
	[tilespmem:$0x18100] =	vst v63  }
0xb0: {  	_ = 	snop  }
0xb1: {  	[tilespmem:s12], [sflag:$0x2] =	stream.indirect_vreg.gather [hbm4b:s5+s3], $0x80, v3, vm0, $0xb8;
	[tilespmem:$0x18100] =	vst v63  }
0xb2: {  	v3 =	vld [tilespmem:$0xA0];
	_ =	sdelay $0x4  }
0xb3: {  	v62 =	vshrl.u32 v3, $0x3  }
0xb4: {  	v4 =	vmul.u32 $0x30, v62  }
0xb5: {  	v3 =	vand.u32 $0x7, v3  }
0xb6: {  	v3 =	vor.u32 v3, v4  }
0xb7: {  	v4 =	vperm.xlane v3, v0;
	_ =	sdelay $0x1  }
0xb8: {  	v4 =	vadd.s32 v1, v4;
	_ =	sdelay $0x3  }
0xb9: {  	v3 =	vperm.xlane v3, v2  }
0xba: {  	[tilespmem:s13], [sflag:$0x2] =	stream.indirect_vreg.gather [hbm4b:s1+s3], $0x80, v4, vm0, $0xb8;
	[tilespmem:$0x18100] =	vst v63  }
0xbb: {  	v3 =	vadd.s32 v1, v3  }
0xbc: {  	[tilespmem:s14], [sflag:$0x2] =	stream.indirect_vreg.gather [hbm4b:s4+s3], $0x80, v4, vm0, $0xb8;
	[tilespmem:$0x18100] =	vst v63  }
0xbd: {  	_ = 	snop  }
0xbe: {  	[tilespmem:s15], [sflag:$0x2] =	stream.indirect_vreg.gather [hbm4b:s5+s3], $0x80, v4, vm0, $0xb8;
	[tilespmem:$0x18100] =	vst v63  }
0xbf: {  	_ = 	snop  }
0xc0: {  	[tilespmem:s16], [sflag:$0x2] =	stream.indirect_vreg.gather [hbm4b:s1+s3], $0x80, v3, vm0, $0xb8;
	[tilespmem:$0x18100] =	vst v63  }
0xc1: {  	_ = 	snop  }
0xc2: {  	[tilespmem:s17], [sflag:$0x2] =	stream.indirect_vreg.gather [hbm4b:s4+s3], $0x80, v3, vm0, $0xb8;
	[tilespmem:$0x18100] =	vst v63  }
0xc3: {  	_ = 	snop  }
0xc4: {  	[tilespmem:s18], [sflag:$0x2] =	stream.indirect_vreg.gather [hbm4b:s5+s3], $0x80, v3, vm0, $0xb8;
	[tilespmem:$0x18100] =	vst v63  }
0xc5: {  	v3 =	vld [tilespmem:$0xB0];
	_ =	sdelay $0x4  }
0xc6: {  	v63 =	vshrl.u32 v3, $0x3  }
0xc7: {  	v4 =	vmul.u32 $0x30, v63  }
0xc8: {  	v3 =	vand.u32 $0x7, v3  }
0xc9: {  	v3 =	vor.u32 v3, v4  }
0xca: {  	v4 =	vperm.xlane v3, v0;
	_ =	sdelay $0x1  }
0xcb: {  	v4 =	vadd.s32 v1, v4;
	_ =	sdelay $0x3  }
0xcc: {  	v3 =	vperm.xlane v3, v2  }
0xcd: {  	[tilespmem:s19], [sflag:$0x2] =	stream.indirect_vreg.gather [hbm4b:s1+s3], $0x80, v4, vm0, $0xb8;
	[tilespmem:$0x18100] =	vst v63  }
0xce: {  	v3 =	vadd.s32 v1, v3  }
0xcf: {  	[tilespmem:s20], [sflag:$0x2] =	stream.indirect_vreg.gather [hbm4b:s4+s3], $0x80, v4, vm0, $0xb8;
	[tilespmem:$0x18100] =	vst v63  }
0xd0: {  	_ = 	snop  }
0xd1: {  	[tilespmem:s21], [sflag:$0x2] =	stream.indirect_vreg.gather [hbm4b:s5+s3], $0x80, v4, vm0, $0xb8;
	[tilespmem:$0x18100] =	vst v63  }
0xd2: {  	_ = 	snop  }
0xd3: {  	[tilespmem:s22], [sflag:$0x2] =	stream.indirect_vreg.gather [hbm4b:s1+s3], $0x80, v3, vm0, $0xb8;
	[tilespmem:$0x18100] =	vst v63  }
0xd4: {  	_ = 	snop  }
0xd5: {  	[tilespmem:s23], [sflag:$0x2] =	stream.indirect_vreg.gather [hbm4b:s4+s3], $0x80, v3, vm0, $0xb8;
	[tilespmem:$0x18100] =	vst v63  }
0xd6: {  	_ = 	snop  }
0xd7: {  	[tilespmem:s24], [sflag:$0x2] =	stream.indirect_vreg.gather [hbm4b:s5+s3], $0x80, v3, vm0, $0xb8;
	[tilespmem:$0x18100] =	vst v63  }
0xd8: {  	_ =	swait.ge [sflag:s25], $0xC000  }
0xd9: {  	s2 =	sadd.s32 $0x10, s2;
	[sflag:s25] =	ssyncset.done $0x0  }
0xda: {  	p0 =	sne.s32 s2, $0x100;
	s7 =	sadd.s32 $0xFFFFE800, s31;
	[sflag:s25] =	ssyncadd.s32 $0xFFFF4000  }
0xdb: {  	[hbm4b:s7+s3] =	stream.linear.scatter [tilespmem:s9], [sflag:$0x3], $0xC000, $0x38;
	[tilespmem:$0x18100] =	vst v63  }
.Ltmp0:
0xdc: {  	_ =	swait.ge [sflag:s26], $0xC000;
	(pc) =	sbr.rel @p0 .LBB2_2-.Ltmp0, $4  }
0xdd: {  	[sflag:s26] =	ssyncset.done $0x0  }
0xde: {  	[sflag:s26] =	ssyncadd.s32 $0xFFFF4000  }
0xdf: {  	[hbm4b:s31+s3] =	stream.linear.scatter [tilespmem:s10], [sflag:$0x4], $0xC000, $0x38;
	[tilespmem:$0x18100] =	vst v63  }
0xe0: {  	s31 =	sadd.s32 $0x3000, s31  }
0xe1: {  	_ =	swait.ge [sflag:s28], $0xC000  }
0xe2: {  	[sflag:s28] =	ssyncset.done $0x0  }
0xe3: {  	[sflag:s28] =	ssyncadd.s32 $0xFFFF4000  }
0xe4: {  	_ =	swait.ge [sflag:s29], $0xC000  }
0xe5: {  	s0 =	sld [smem:$0x7F7];
	_ =	sdelay $0x1  }
0xe6: {  	s30 =	sadd.s32 $0x1, s30  }
0xe7: {  	p0 =	sne.s32 s30, s0  }
.Ltmp1:
0xe8: {  	_ = 	snop;
	(pc) =	sbr.rel @p0 .LBB2_1-.Ltmp1, $3  }
0xe9: {  	_ =	sdelay $0x1  }
0xea: {  	[sflag:s29] =	ssyncset.done $0x0  }
0xeb: {  	[sflag:s29] =	ssyncadd.s32 $0xFFFF4000  }
0xec: {  	_ =	sfence.sel $0x180000  }
0xed: {  	[bflag:$0x0] =	sbarrier.arrive $0xFFFF  }
0xee: {  	_ =	strace $0x90000047  }
0xef: {  	s0 =	stileid.u32;
	[bflag:$0x2] =	sbarrier.arrive $0xFFFF  }
0xf0: {  	p0 =	sne.s32 s0, $0x0;
	s0 =	rddreg [dreg:$0x3]  }
0xf1: {  	s0 =	sadd.s32 @!p0 $0x100000, s0  }
0xf2: {  	[sflag:s0] =	ssyncadd.tile.s32 @!p0 $0x1;
	_ =	shalt  }
.Lfunc_end2:
_tile_overlayer_lowered:
.L_overlay_start_2:
0xf3: {  	(tag) =	ssettag $0x2  }
0xf4: {  	s0 =	rddreg [dreg:$0x0];
	s2 =	stileid.u32  }
0xf5: {  	s1 =	rddreg [dreg:$0x1];
	p0 =	sne.s32 s2, $0x0  }
0xf6: {  	s3 =	rddreg [dreg:$0x2];
	[bflag:$0x3] =	sbarrier.arrive $0xFFFF;
	s2 =	simm.s32 @!p0 $0x1C05  }
0xf7: {  	[timem:s3], [sflag:s2] =	dma.local @!p0 [hbm:s0], s1  }
0xf8: {  	s0 =	simm.s32 @!p0 $0x5  }
0xf9: {  	_ =	swait.ge @!p0 [sflag:s0], s1  }
0xfa: {  	s1 =	ssub.s32 @!p0 $0x0, s1;
	[sflag:s0] =	ssyncset.done @!p0 $0x0  }
0xfb: {  	[sflag:s0] =	ssyncadd.s32 @!p0 s1  }
0xfc: {  	[bflag:$0x3] =	sbarrier.arrive $0xFFFF  }
0xfd: {  	_ =	shalt  }

// kernel: kernel.9.cloned.1.call-start
scs
__scs_entry_jumppad:
0x0: {  	(pc) =	sbr.rel $0x88, $3  }
0x1: {  	(tag) =	ssettag $0x0;
	lr =	simm.s32 $0x1  }
0x2: {  	[smem:$0x3F9A] =	sst lr;
	_ =	strace $0xD0000000  }
0x3: {  	_ = 	snop  }
0x4: {  	_ = 	snop  }
0x5: {  	_ = 	snop  }
0x6: {  	_ = 	snop  }
0x7: {  	_ = 	snop  }
__scs_overlays_trampoline_lowered:
0x8: {  	[smem:$0x3FA9] =	sst s0  }
0x9: {  	[smem:$0x3FAA] =	sst s1  }
0xa: {  	[smem:$0x3FAB] =	sst s2  }
0xb: {  	[smem:$0x3FAC] =	sst s3  }
0xc: {  	[smem:$0x3FAD] =	sst s4  }
0xd: {  	[smem:$0x3FAE] =	sst s5  }
0xe: {  	[smem:$0x3FAF] =	sst s6  }
0xf: {  	[smem:$0x3FB0] =	sst s7  }
0x10: {  	[smem:$0x3FB1] =	sst s8  }
0x11: {  	[smem:$0x3FB2] =	sst s9;
	s0 =	simm.s32 @!p0 $0x0  }
0x12: {  	s1 =	sld [smem:$0x3F98];
	s0 =	simm.s32 @p0 $0x1  }
0x13: {  	[smem:$0x3FB3] =	sst s0;
	s0 =	simm.s32 @!p1 $0x0  }
0x14: {  	s2 =	sld [smem:$0x3F97];
	s0 =	simm.s32 @p1 $0x1  }
0x15: {  	[smem:$0x3FB4] =	sst s0;
	s0 =	simm.s32 @!p2 $0x0  }
0x16: {  	s3 =	sld [smem:$0x3FDB];
	s0 =	simm.s32 @p2 $0x1  }
0x17: {  	s4 =	simm.s32 $0x1BF5;
	[smem:$0x3FB6] =	sst s0  }
0x18: {  	s0 =	sld [smem:$0x3F99];
	_ =	swait.ge [sflag:s4], $0x0  }
0x19: {  	s7 =	sld [smem:$0x3F9A]  }
0x1a: {  	s8 =	sadd.s32 $0xFFFFE003, lr  }
0x1b: {  	s9 =	sadd.s32 $0xFFFFFEF7, lr;
	s5 =	simm.s32 $0xFFFFFFFF;
	p2 =	slt.u32 s8, $0xFFFFF086  }
0x1c: {  	p1 =	slt.u32 s9, $0xF7A;
	s5 =	simm.s32 @!p2 $0x0  }
0x1d: {  	s5 =	simm.s32 @p1 $0x1;
	p0 =	seq.s32 s7, s2  }
0x1e: {  	s7 =	smul.u32 @!p0 $0xF7A, s2;
	p2 =	seq.s32 @!p0 s5, $0x0  }
0x1f: {  	s9 =	smul.u32 $0xF7A, s1;
	s8 =	simm.s32 @!p0 $0x1BF5;
	p2 =	por !p2, p0  }
0x20: {  	[sflag:s8] =	ssyncset.s32 @!p0 $0xFFFFF086;
	s6 =	sadd.s32 @!p0 s3, s7;
	s7 =	simm.s32 @!p0 $0x108  }
0x21: {  	s3 =	sadd.s32 s3, s9;
	s6 =	sadd.s32 @!p0 $0x88, s6;
	s7 =	simm.s32 @p2 $0x1082  }
0x22: {  	[simem:s7], [sflag:s8] =	dma.local @!p0 [hbm:s6], $0xF7A  }
0x23: {  	s9 =	sor.u32 $0xD0000000, s2;
	s6 =	simm.s32 $0x108;
	_ =	swait.ge @!p0 [sflag:s8], $0x0  }
0x24: {  	s3 =	sadd.s32 $0x88, s3;
	s6 =	simm.s32 @!p1 $0x1082;
	[sflag:s4] =	ssyncset.s32 $0xFFFFF086  }
0x25: {  	[simem:s6], [sflag:s4] =	dma.local [hbm:s3], $0xF7A  }
0x26: {  	[smem:$0x3F9A] =	sst s1;
	(tag) =	ssettag s2;
	_ =	strace s9  }
0x27: {  	s1 =	sld [smem:$0x3FAA]  }
0x28: {  	s2 =	sld [smem:$0x3FAB]  }
0x29: {  	s4 =	sld [smem:$0x3FAD]  }
0x2a: {  	p0 =	seq.s32 s5, $0x0;
	s5 =	sld [smem:$0x3FAE]  }
0x2b: {  	s6 =	sld [smem:$0x3FAF]  }
0x2c: {  	s7 =	sld [smem:$0x3FB0]  }
0x2d: {  	s3 =	simm.s32 $0x108;
	s8 =	sld [smem:$0x3FB1]  }
0x2e: {  	s3 =	simm.s32 @!p0 $0x1082;
	s9 =	sld [smem:$0x3FB2]  }
0x2f: {  	lr =	sadd.s32 s0, s3;
	s0 =	sld [smem:$0x3FA9]  }
0x30: {  	s3 =	sld [smem:$0x3FAC]  }
0x31: {  	[smem:$0x3FB5] =	sst s10  }
0x32: {  	s10 =	sld [smem:$0x3FB3];
	_ =	sdelay $0x3  }
0x33: {  	p0 =	seq.s32 s10, $0x1;
	s10 =	sld [smem:$0x3FB5];
	_ =	sdelay $0x3  }
0x34: {  	[smem:$0x3FB5] =	sst s10  }
0x35: {  	s10 =	sld [smem:$0x3FB4];
	_ =	sdelay $0x3  }
0x36: {  	p1 =	seq.s32 s10, $0x1;
	s10 =	sld [smem:$0x3FB5];
	_ =	sdelay $0x3  }
0x37: {  	[smem:$0x3FB5] =	sst s10  }
0x38: {  	s10 =	sld [smem:$0x3FB6]  }
0x39: {  	_ = 	snop;
	(pc) =	sbr.ind lr, $3  }
0x3a: {  	_ = 	snop  }
0x3b: {  	_ = 	snop  }
0x3c: {  	p2 =	seq.s32 s10, $0x1;
	s10 =	sld [smem:$0x3FB5]  }
0x3d: {  	_ =	shalt  }
0x3e: {  	_ =	shalt  }
0x3f: {  	_ =	shalt  }
0x40: {  	_ =	shalt  }
0x41: {  	_ =	shalt  }
0x42: {  	_ =	shalt  }
0x43: {  	_ =	shalt  }
0x44: {  	_ =	shalt  }
0x45: {  	_ =	shalt  }
0x46: {  	_ =	shalt  }
0x47: {  	_ =	shalt  }
0x48: {  	_ =	shalt  }
0x49: {  	_ =	shalt  }
0x4a: {  	_ =	shalt  }
0x4b: {  	_ =	shalt  }
0x4c: {  	_ =	shalt  }
0x4d: {  	_ =	shalt  }
0x4e: {  	_ =	shalt  }
0x4f: {  	_ =	shalt  }
0x50: {  	_ =	shalt  }
0x51: {  	_ =	shalt  }
0x52: {  	_ =	shalt  }
0x53: {  	_ =	shalt  }
0x54: {  	_ =	shalt  }
0x55: {  	_ =	shalt  }
0x56: {  	_ =	shalt  }
0x57: {  	_ =	shalt  }
0x58: {  	_ =	shalt  }
0x59: {  	_ =	shalt  }
0x5a: {  	_ =	shalt  }
0x5b: {  	_ =	shalt  }
0x5c: {  	_ =	shalt  }
0x5d: {  	_ =	shalt  }
0x5e: {  	_ =	shalt  }
0x5f: {  	_ =	shalt  }
0x60: {  	_ =	shalt  }
0x61: {  	_ =	shalt  }
0x62: {  	_ =	shalt  }
0x63: {  	_ =	shalt  }
0x64: {  	_ =	shalt  }
0x65: {  	_ =	shalt  }
0x66: {  	_ =	shalt  }
0x67: {  	_ =	shalt  }
0x68: {  	_ =	shalt  }
0x69: {  	_ =	shalt  }
0x6a: {  	_ =	shalt  }
0x6b: {  	_ =	shalt  }
0x6c: {  	_ =	shalt  }
0x6d: {  	_ =	shalt  }
0x6e: {  	_ =	shalt  }
0x6f: {  	_ =	shalt  }
0x70: {  	_ =	shalt  }
0x71: {  	_ =	shalt  }
0x72: {  	_ =	shalt  }
0x73: {  	_ =	shalt  }
0x74: {  	_ =	shalt  }
0x75: {  	_ =	shalt  }
0x76: {  	_ =	shalt  }
0x77: {  	_ =	shalt  }
0x78: {  	_ =	shalt  }
0x79: {  	_ =	shalt  }
0x7a: {  	_ =	shalt  }
0x7b: {  	_ =	shalt  }
0x7c: {  	_ =	shalt  }
0x7d: {  	_ =	shalt  }
0x7e: {  	_ =	shalt  }
0x7f: {  	_ =	shalt  }
0x80: {  	_ =	shalt  }
0x81: {  	_ =	shalt  }
0x82: {  	_ =	shalt  }
0x83: {  	_ =	shalt  }
0x84: {  	_ =	shalt  }
0x85: {  	_ =	shalt  }
0x86: {  	_ =	shalt  }
0x87: {  	_ =	shalt  }
.Lfunc_end0:
.L_simem_size_0:
called_computation.1_lowered:
.L_overlay_start_0:
0x88: {  	s2 =	sld [smem:$0x3FD9]  }
0x89: {  	s3 =	sld [smem:$0x3FFE];
	_ =	sdelay $0x1  }
0x8a: {  	s1 =	srdreg.scid  }
0x8b: {  	s0 =	sand.u32 $0x1, s1  }
0x8c: {  	s17 =	sshll.u32 s0, $0xA;
	s2 =	sadd.s32 s3, s2  }
0x8d: {  	s2 =	sadd.s32 s2, s17  }
0x8e: {  	[smem:$0x3FC1] =	sst s2  }
0x8f: {  	_ = 	snop  }
0x90: {  	s18 =	sld [smem:$0x3FC7];
	(tm) =	ssettm $0x1  }
0x91: {  	s19 =	sld [smem:$0x3FFB];
	_ =	sdelay $0x3  }
0x92: {  	_ =	strace s19  }
0x93: {  	s2 =	sld [smem:$0x3FFC];
	_ =	sdelay $0x3  }
0x94: {  	_ =	strace s2  }
0x95: {  	s2 =	sld [smem:$0x3FFD];
	_ =	sdelay $0x3  }
0x96: {  	_ =	strace s2  }
0x97: {  	_ =	strace $0x8FFFFFFF  }
0x98: {  	s20 =	sld [smem:$0x3FDB];
	_ =	sdelay $0x1  }
0x99: {  	s4 =	simm.s32 $_scs_section_size  }
0x9a: {  	s5 =	simm.s32 $_size__tile_overlayer_lowered;
	s6 =	simm.s32 $_tile_overlayer_lowered  }
0x9b: {  	s7 =	simm.s32 $0x1BFF;
	s21 =	sshll.u32 s6, $0x1;
	s4 =	sadd.s32 s4, s20  }
0x9c: {  	s22 =	simm.s32 $0x0;
	s5 =	sshll.u32 s5, $0x1;
	s6 =	sadd.s32 s21, s4  }
0x9d: {  	[timem:s22], [sflag:s7] =	dma.local [hbm:s6], s5  }
0x9e: {  	_ =	swait.ge [sflag:s7], s5  }
0x9f: {  	s5 =	ssub.s32 $0x0, s5;
	[sflag:s7] =	ssyncset.done $0x0  }
0xa0: {  	[sflag:s7] =	ssyncadd.s32 s5;
	_ =	sdelay $0x1  }
0xa1: {  	s23 =	simm.s32 $0x1B8B  }
0xa2: {  	_ =	swait.ge [sflag:s23], $0x1  }
0xa3: {  	[sflag:s23] =	ssyncset.done $0x0  }
0xa4: {  	[sflag:s23] =	ssyncadd.s32 $0xFFFFFFFF  }
0xa5: {  	s5 =	sld [smem:$0x0]  }
0xa6: {  	s6 =	sand.u32 $0xFFFFFFFE, s1  }
0xa7: {  	p0 =	sne.s32 s1, s6  }
0xa8: {  	s6 =	sshll.u32 @p0 s6, $0xE  }
0xa9: {  	s6 =	sadd.s32 @p0 $0x11B8D, s6;
	s7 =	sshll.u32 @p0 s5, $0x11  }
0xaa: {  	s6 =	sor.u32 @p0 s7, s6  }
0xab: {  	[sflag:s6] =	ssyncadd.remote.s32 @p0 $0x1;
	_ =	sdelay $0x1  }
0xac: {  	s6 =	simm.s32 @p0 $0x1B8D  }
0xad: {  	_ =	swait.eq @p0 [sflag:s6], $0x1  }
0xae: {  	[sflag:s6] =	ssyncadd.s32 @p0 $0xFFFFFFFF  }
0xaf: {  	s7 =	sshll.u32 @!p0 s1, $0xE  }
0xb0: {  	s7 =	sor.u32 @!p0 $0x4000, s7;
	s6 =	simm.s32 @!p0 $0x1B8D  }
0xb1: {  	s5 =	sshll.u32 @!p0 s5, $0x11;
	s7 =	sadd.s32 @!p0 $0x11B8D, s7;
	_ =	swait.eq @!p0 [sflag:s6], $0x1  }
0xb2: {  	s5 =	sor.u32 @!p0 s5, s7;
	[sflag:s6] =	ssyncadd.s32 @!p0 $0xFFFFFFFF  }
0xb3: {  	s25 =	simm.s32 $0x1B8E;
	s24 =	sld [smem:$0x3FFE];
	[sflag:s5] =	ssyncadd.remote.s32 @!p0 $0x1  }
0xb4: {  	s26 =	simm.s32 $execute0_lowered;
	[smem:$0x3FD2] =	sst s25  }
0xb5: {  	s6 =	sshll.u32 s26, $0x1;
	_ =	strace $0x80000049;
	[dreg:$0x1] =	wrdreg $0xFFFFFFFF  }
0xb6: {  	s28 =	simm.s32 $_size_execute0_lowered;
	s4 =	sadd.s32 s4, s6;
	[dreg:$0x0] =	wrdreg $0x0  }
0xb7: {  	s6 =	sshll.u32 s28, $0x1;
	[dreg:$0x2] =	wrdreg s4  }
0xb8: {  	[dreg:$0x3] =	wrdreg s6  }
0xb9: {  	[dreg:$0x4] =	wrdreg $0xC0  }
0xba: {  	_ =	task [dreg:s22], $0x5FFFF  }
0xbb: {  	[dreg:$0x1] =	wrdreg $0xFFFFFFFF  }
0xbc: {  	[dreg:$0x0] =	wrdreg $0x60  }
0xbd: {  	[dreg:$0x2] =	wrdreg s18  }
0xbe: {  	[dreg:$0x3] =	wrdreg s24  }
0xbf: {  	[dreg:$0x4] =	wrdreg $0xA  }
0xc0: {  	_ =	task.clear_ibuf [dreg:s22], $0x5FFFF;
	_ =	strace $0x90000049  }
0xc1: {  	s29 =	simm.s32 $0xA;
	_ =	strace $0x8000004B  }
0xc2: {  	_ =	swait.ge [sflag:s29], $0x1  }
0xc3: {  	[sflag:s29] =	ssyncadd.s32 $0xFFFFFFFF  }
0xc4: {  	_ =	strace $0x9000004B  }
0xc5: {  	_ =	sfence  }
0xc6: {  	s30 =	sld [smem:$0x0];
	_ =	sdelay $0x2  }
0xc7: {  	s31 =	sshll.u32 s1, $0xD;
	s1 =	sshrl.u32 s1, $0x2  }
0xc8: {  	s4 =	sand.u32 $0x4000, s31;
	s1 =	sadd.s32 s1, s30  }
0xc9: {  	s0 =	sor.u32 s4, s0;
	s1 =	sshll.u32 s1, $0x11  }
0xca: {  	s0 =	sor.u32 s1, s0  }
0xcb: {  	s0 =	sadd.s32 $0x8F2B, s0  }
0xcc: {  	[sflag:s0] =	ssyncadd.remote.s32 $0x1  }
0xcd: {  	_ =	sfence.sel $0xFFFF  }
0xce: {  	[dreg:$0x0] =	wrdreg $0xFFFFFFFF;
	(pc) =	sbr.abs _section_cstart, $3  }
0xcf: {  	[dreg:$0x1] =	wrdreg $0xFFFFFFFF  }
0xd0: {  	_ =	task.clear_ibuf [dreg:s22], $0x2FFFF;
	_ =	strace $0x9FFFFFFF  }
0xd1: {  	(tm) =	ssettm $0x7FFFFFFF  }
tec
execute0_lowered:
.L_overlay_start_1:
0x0: {  	(tag) =	ssettag $0x1  }
0x1: {  	s0 =	srdreg.scid  }
0x2: {  	s1 =	stileid.u32;
	s0 =	sand.u32 $0x1, s0  }
0x3: {  	s2 =	rddreg [dreg:$0x0];
	s1 =	sshll.u32 s1, $0xC;
	s3 =	sshll.u32 s0, $0xB  }
0x4: {  	s4 =	rddreg [dreg:$0x1];
	s1 =	sor.u32 s3, s1;
	s3 =	simm.s32 $0x0  }
0x5: {  	s18 =	simm.s32 $0x900;
	[smem:$0x7FF] =	sst s3  }
0x6: {  	s19 =	simm.s32 $0x1100;
	_ =	strace $0x8000004A;
	[dreg:$0x4] =	wrdreg s18  }
0x7: {  	s20 =	simm.s32 $0x1900;
	[dreg:$0x5] =	wrdreg s19  }
0x8: {  	s21 =	simm.s32 $0x2100;
	[dreg:$0x6] =	wrdreg s20  }
0x9: {  	s22 =	simm.s32 $0x2900;
	[dreg:$0x7] =	wrdreg s21  }
0xa: {  	s23 =	simm.s32 $0x3100;
	[dreg:$0x8] =	wrdreg s22  }
0xb: {  	s24 =	simm.s32 $0x3900;
	[dreg:$0x9] =	wrdreg s23  }
0xc: {  	s25 =	simm.s32 $0x4100;
	[dreg:$0xa] =	wrdreg s24  }
0xd: {  	s26 =	simm.s32 $0x4900;
	[dreg:$0xb] =	wrdreg s25  }
0xe: {  	s31 =	simm.s32 $0x5100;
	[dreg:$0xc] =	wrdreg s26  }
0xf: {  	s6 =	simm.s32 $0x5900;
	[dreg:$0xd] =	wrdreg s31  }
0x10: {  	s7 =	simm.s32 $0x6100;
	[dreg:$0xe] =	wrdreg s6  }
0x11: {  	s8 =	simm.s32 $0x6900;
	[dreg:$0xf] =	wrdreg s7  }
0x12: {  	s9 =	simm.s32 $0x7100;
	[dreg:$0x10] =	wrdreg s8  }
0x13: {  	s10 =	simm.s32 $0x7900;
	[dreg:$0x11] =	wrdreg s9  }
0x14: {  	s11 =	simm.s32 $0x8100;
	[dreg:$0x12] =	wrdreg s10  }
0x15: {  	s12 =	simm.s32 $0x8900;
	s13 =	simm.s32 $0x9100;
	[dreg:$0x13] =	wrdreg s11  }
0x16: {  	s14 =	simm.s32 $0x9900;
	s15 =	simm.s32 $0xA100;
	[dreg:$0x14] =	wrdreg s12  }
0x17: {  	s16 =	simm.s32 $0xA900;
	s17 =	simm.s32 $0xB100;
	[dreg:$0x15] =	wrdreg s13  }
0x18: {  	s28 =	simm.s32 $0x3;
	s29 =	simm.s32 $0x4;
	[dreg:$0x16] =	wrdreg s14  }
0x19: {  	s30 =	simm.s32 $0x0;
	s1 =	sshrl.u32 s1, $0x3;
	[dreg:$0x17] =	wrdreg s15  }
0x1a: {  	s0 =	ssub.s32 $0x2, s0;
	s5 =	sadd.s32 s1, s4;
	[dreg:$0x18] =	wrdreg s16  }
0x1b: {  	s1 =	smul.u32 $0x300, s1;
	[dreg:$0x19] =	wrdreg s17;
	s18 =	simm.s32 $0xB900  }
0x1c: {  	s19 =	simm.s32 $0x80;
	s20 =	simm.s32 $0xC900;
	s21 =	sshrl.u32 s0, $0x1  }
0x1d: {  	s22 =	simm.s32 $0xD100;
	s23 =	simm.s32 $0xD900;
	[dreg:$0x1a] =	wrdreg s18  }
0x1e: {  	s6 =	simm.s32 $0xE100;
	s7 =	simm.s32 $0xE900;
	[dreg:$0x1b] =	wrdreg s19  }
0x1f: {  	s24 =	simm.s32 $0xF100;
	s25 =	simm.s32 $0xF900;
	[dreg:$0x1c] =	wrdreg s20  }
0x20: {  	s8 =	simm.s32 $0x5;
	s26 =	simm.s32 $0x10100;
	[dreg:$0x1d] =	wrdreg s22  }
0x21: {  	s9 =	simm.s32 $0x100;
	s31 =	simm.s32 $0x10900;
	[dreg:$0x1e] =	wrdreg s23  }
0x22: {  	s10 =	simm.s32 $0xC100;
	s11 =	simm.s32 $0x11100;
	[dreg:$0x1f] =	wrdreg s6  }
0x23: {  	s12 =	simm.s32 $0x11900;
	s13 =	simm.s32 $0x12100;
	[smem:$0x7F8] =	sst s7  }
0x24: {  	s14 =	simm.s32 $0x12900;
	s15 =	simm.s32 $0x13100;
	[smem:$0x7FA] =	sst s24  }
0x25: {  	s16 =	simm.s32 $0x13900;
	s17 =	simm.s32 $0x14100;
	[smem:$0x7FB] =	sst s25  }
0x26: {  	s5 =	sadd.s32 $0x1800, s5;
	s0 =	ssub.s32 s0, s21;
	[smem:$0x7FC] =	sst s26  }
0x27: {  	[smem:$0x7FD] =	sst s31;
	s18 =	simm.s32 $0x14900;
	s19 =	simm.s32 $0x15100  }
0x28: {  	s20 =	simm.s32 $0x15900;
	s21 =	simm.s32 $0x16100;
	s22 =	simm.s32 $0x16900  }
0x29: {  	s23 =	simm.s32 $0x17100;
	s24 =	simm.s32 $0x17900;
	s25 =	simm.s32 $0x1  }
0x2a: {  	v2 =	vlaneseq.u32;
	[dreg:$0x3] =	wrdreg s5;
	s1 =	sadd.s32 s1, s4;
	s0 =	smax.u32 s0, $0x1  }
0x2b: {  	vm0 =	vmmov $0xffff;
	v1 =	vshrl.u32 v2, $0x3;
	s26 =	simm.s32 $0x2;
	[smem:$0x7F7] =	sst s0;
	s1 =	sadd.s32 $0x605000, s1  }
0x2c: {  	v0 =	vand.u32 $0x7, v2;
	v2 =	vor.u32 $0x8, v2;
	v1 =	vmul.u32 $0x8, v1;
	s4 =	sadd.s32 $0x100, s2;
	s5 =	sadd.s32 $0x200, s2;
	[smem:$0x7F9] =	sst s1  }
.LBB2_1:
0x2d: {  	s31 =	sld [smem:$0x7F9];
	s1 =	simm.s32 $0x0  }
.LBB2_2:
0x2e: {  	p0 =	seq.s32 s1, $0x0  }
0x2f: {  	s0 =	simm.s32 @!p0 $0x3  }
0x30: {  	_ =	swait.ge @!p0 [sflag:s0], $0xC000  }
0x31: {  	[sflag:s0] =	ssyncset.done @!p0 $0x0  }
0x32: {  	[sflag:s0] =	ssyncadd.s32 @!p0 $0xFFFF4000;
	s0 =	simm.s32 @!p0 $0x4  }
0x33: {  	_ =	swait.ge @!p0 [sflag:s0], $0xC000  }
0x34: {  	s6 =	rddreg [dreg:$0x3];
	[sflag:s0] =	ssyncset.done @!p0 $0x0  }
0x35: {  	[sflag:s0] =	ssyncadd.s32 @!p0 $0xFFFF4000;
	s0 =	sadd.s32 s1, s6  }
0x36: {  	[tilespmem:s3], [sflag:$0x5] =	stream.linear.gather [hbm4b:s0+s3], $0x40, $0x38;
	[tilespmem:$0x18100] =	vst v63  }
0x37: {  	_ =	swait.ge [sflag:s8], $0x40  }
0x38: {  	[sflag:s8] =	ssyncset.done $0x0  }
0x39: {  	[sflag:s8] =	ssyncadd.s32 $0xFFFFFFC0  }
0x3a: {  	v3 =	vld [tilespmem:$0x0];
	_ =	sdelay $0x4  }
0x3b: {  	v4 =	vshrl.u32 v3, $0x3  }
0x3c: {  	v4 =	vmul.u32 $0x30, v4  }
0x3d: {  	v3 =	vand.u32 $0x7, v3  }
0x3e: {  	v3 =	vor.u32 v3, v4  }
0x3f: {  	v4 =	vperm.xlane v3, v0;
	_ =	sdelay $0x1  }
0x40: {  	v4 =	vadd.s32 v1, v4;
	_ =	sdelay $0x3  }
0x41: {  	v3 =	vperm.xlane v3, v2  }
0x42: {  	[tilespmem:s9], [sflag:$0x1] =	stream.indirect_vreg.gather [hbm4b:s2+s3], $0x80, v4, vm0, $0xb8;
	[tilespmem:$0x18100] =	vst v63  }
0x43: {  	s6 =	rddreg [dreg:$0x4];
	v3 =	vadd.s32 v1, v3  }
0x44: {  	[tilespmem:s6], [sflag:$0x1] =	stream.indirect_vreg.gather [hbm4b:s4+s3], $0x80, v4, vm0, $0xb8;
	[tilespmem:$0x18100] =	vst v63  }
0x45: {  	s7 =	rddreg [dreg:$0x5]  }
0x46: {  	[tilespmem:s7], [sflag:$0x1] =	stream.indirect_vreg.gather [hbm4b:s5+s3], $0x80, v4, vm0, $0xb8;
	[tilespmem:$0x18100] =	vst v63  }
0x47: {  	s6 =	rddreg [dreg:$0x6]  }
0x48: {  	[tilespmem:s6], [sflag:$0x1] =	stream.indirect_vreg.gather [hbm4b:s2+s3], $0x80, v3, vm0, $0xb8;
	[tilespmem:$0x18100] =	vst v63  }
0x49: {  	s7 =	rddreg [dreg:$0x7]  }
0x4a: {  	[tilespmem:s7], [sflag:$0x1] =	stream.indirect_vreg.gather [hbm4b:s4+s3], $0x80, v3, vm0, $0xb8;
	[tilespmem:$0x18100] =	vst v63  }
0x4b: {  	s6 =	rddreg [dreg:$0x8]  }
0x4c: {  	[tilespmem:s6], [sflag:$0x1] =	stream.indirect_vreg.gather [hbm4b:s5+s3], $0x80, v3, vm0, $0xb8;
	[tilespmem:$0x18100] =	vst v63  }
0x4d: {  	v3 =	vld [tilespmem:$0x10];
	_ =	sdelay $0x4  }
0x4e: {  	v57 =	vshrl.u32 v3, $0x3  }
0x4f: {  	v4 =	vmul.u32 $0x30, v57  }
0x50: {  	v3 =	vand.u32 $0x7, v3  }
0x51: {  	v3 =	vor.u32 v3, v4  }
0x52: {  	v4 =	vperm.xlane v3, v0;
	_ =	sdelay $0x1  }
0x53: {  	v4 =	vadd.s32 v1, v4;
	_ =	sdelay $0x3  }
0x54: {  	s6 =	rddreg [dreg:$0x9];
	v3 =	vperm.xlane v3, v2  }
0x55: {  	[tilespmem:s6], [sflag:$0x1] =	stream.indirect_vreg.gather [hbm4b:s2+s3], $0x80, v4, vm0, $0xb8;
	[tilespmem:$0x18100] =	vst v63  }
0x56: {  	s7 =	rddreg [dreg:$0xa];
	v3 =	vadd.s32 v1, v3  }
0x57: {  	[tilespmem:s7], [sflag:$0x1] =	stream.indirect_vreg.gather [hbm4b:s4+s3], $0x80, v4, vm0, $0xb8;
	[tilespmem:$0x18100] =	vst v63  }
0x58: {  	s6 =	rddreg [dreg:$0xb]  }
0x59: {  	[tilespmem:s6], [sflag:$0x1] =	stream.indirect_vreg.gather [hbm4b:s5+s3], $0x80, v4, vm0, $0xb8;
	[tilespmem:$0x18100] =	vst v63  }
0x5a: {  	s7 =	rddreg [dreg:$0xc]  }
0x5b: {  	[tilespmem:s7], [sflag:$0x1] =	stream.indirect_vreg.gather [hbm4b:s2+s3], $0x80, v3, vm0, $0xb8;
	[tilespmem:$0x18100] =	vst v63  }
0x5c: {  	s6 =	rddreg [dreg:$0xd]  }
0x5d: {  	[tilespmem:s6], [sflag:$0x1] =	stream.indirect_vreg.gather [hbm4b:s4+s3], $0x80, v3, vm0, $0xb8;
	[tilespmem:$0x18100] =	vst v63  }
0x5e: {  	s7 =	rddreg [dreg:$0xe]  }
0x5f: {  	[tilespmem:s7], [sflag:$0x1] =	stream.indirect_vreg.gather [hbm4b:s5+s3], $0x80, v3, vm0, $0xb8;
	[tilespmem:$0x18100] =	vst v63  }
0x60: {  	v3 =	vld [tilespmem:$0x20];
	_ =	sdelay $0x4  }
0x61: {  	v58 =	vshrl.u32 v3, $0x3  }
0x62: {  	v4 =	vmul.u32 $0x30, v58  }
0x63: {  	v3 =	vand.u32 $0x7, v3  }
0x64: {  	v3 =	vor.u32 v3, v4  }
0x65: {  	v4 =	vperm.xlane v3, v0;
	_ =	sdelay $0x1  }
0x66: {  	v4 =	vadd.s32 v1, v4;
	_ =	sdelay $0x3  }
0x67: {  	s6 =	rddreg [dreg:$0xf];
	v3 =	vperm.xlane v3, v2  }
0x68: {  	[tilespmem:s6], [sflag:$0x1] =	stream.indirect_vreg.gather [hbm4b:s2+s3], $0x80, v4, vm0, $0xb8;
	[tilespmem:$0x18100] =	vst v63  }
0x69: {  	s7 =	rddreg [dreg:$0x10];
	v3 =	vadd.s32 v1, v3  }
0x6a: {  	[tilespmem:s7], [sflag:$0x1] =	stream.indirect_vreg.gather [hbm4b:s4+s3], $0x80, v4, vm0, $0xb8;
	[tilespmem:$0x18100] =	vst v63  }
0x6b: {  	s6 =	rddreg [dreg:$0x11]  }
0x6c: {  	[tilespmem:s6], [sflag:$0x1] =	stream.indirect_vreg.gather [hbm4b:s5+s3], $0x80, v4, vm0, $0xb8;
	[tilespmem:$0x18100] =	vst v63  }
0x6d: {  	s7 =	rddreg [dreg:$0x12]  }
0x6e: {  	[tilespmem:s7], [sflag:$0x1] =	stream.indirect_vreg.gather [hbm4b:s2+s3], $0x80, v3, vm0, $0xb8;
	[tilespmem:$0x18100] =	vst v63  }
0x6f: {  	s6 =	rddreg [dreg:$0x13]  }
0x70: {  	[tilespmem:s6], [sflag:$0x1] =	stream.indirect_vreg.gather [hbm4b:s4+s3], $0x80, v3, vm0, $0xb8;
	[tilespmem:$0x18100] =	vst v63  }
0x71: {  	s7 =	rddreg [dreg:$0x14]  }
0x72: {  	[tilespmem:s7], [sflag:$0x1] =	stream.indirect_vreg.gather [hbm4b:s5+s3], $0x80, v3, vm0, $0xb8;
	[tilespmem:$0x18100] =	vst v63  }
0x73: {  	v3 =	vld [tilespmem:$0x30];
	_ =	sdelay $0x4  }
0x74: {  	v59 =	vshrl.u32 v3, $0x3  }
0x75: {  	v4 =	vmul.u32 $0x30, v59  }
0x76: {  	v3 =	vand.u32 $0x7, v3  }
0x77: {  	v3 =	vor.u32 v3, v4  }
0x78: {  	v4 =	vperm.xlane v3, v0;
	_ =	sdelay $0x1  }
0x79: {  	v4 =	vadd.s32 v1, v4;
	_ =	sdelay $0x3  }
0x7a: {  	s6 =	rddreg [dreg:$0x15];
	v3 =	vperm.xlane v3, v2  }
0x7b: {  	[tilespmem:s6], [sflag:$0x1] =	stream.indirect_vreg.gather [hbm4b:s2+s3], $0x80, v4, vm0, $0xb8;
	[tilespmem:$0x18100] =	vst v63  }
0x7c: {  	s7 =	rddreg [dreg:$0x16];
	v3 =	vadd.s32 v1, v3  }
0x7d: {  	[tilespmem:s7], [sflag:$0x1] =	stream.indirect_vreg.gather [hbm4b:s4+s3], $0x80, v4, vm0, $0xb8;
	[tilespmem:$0x18100] =	vst v63  }
0x7e: {  	s6 =	rddreg [dreg:$0x17]  }
0x7f: {  	[tilespmem:s6], [sflag:$0x1] =	stream.indirect_vreg.gather [hbm4b:s5+s3], $0x80, v4, vm0, $0xb8;
	[tilespmem:$0x18100] =	vst v63  }
0x80: {  	s7 =	rddreg [dreg:$0x18]  }
0x81: {  	[tilespmem:s7], [sflag:$0x1] =	stream.indirect_vreg.gather [hbm4b:s2+s3], $0x80, v3, vm0, $0xb8;
	[tilespmem:$0x18100] =	vst v63  }
0x82: {  	s6 =	rddreg [dreg:$0x19]  }
0x83: {  	[tilespmem:s6], [sflag:$0x1] =	stream.indirect_vreg.gather [hbm4b:s4+s3], $0x80, v3, vm0, $0xb8;
	[tilespmem:$0x18100] =	vst v63  }
0x84: {  	s7 =	rddreg [dreg:$0x1a]  }
0x85: {  	[tilespmem:s7], [sflag:$0x1] =	stream.indirect_vreg.gather [hbm4b:s5+s3], $0x80, v3, vm0, $0xb8;
	[tilespmem:$0x18100] =	vst v63  }
0x86: {  	s0 =	sadd.s32 $0x8, s0;
	s6 =	rddreg [dreg:$0x1b]  }
0x87: {  	[tilespmem:s6], [sflag:$0x5] =	stream.linear.gather [hbm4b:s0+s3], $0x40, $0x38;
	[tilespmem:$0x18100] =	vst v63  }
0x88: {  	_ =	swait.ge [sflag:s8], $0x40  }
0x89: {  	[sflag:s8] =	ssyncset.done $0x0  }
0x8a: {  	[sflag:s8] =	ssyncadd.s32 $0xFFFFFFC0  }
0x8b: {  	v3 =	vld [tilespmem:$0x80];
	_ =	sdelay $0x4  }
0x8c: {  	v60 =	vshrl.u32 v3, $0x3  }
0x8d: {  	v4 =	vmul.u32 $0x30, v60  }
0x8e: {  	v3 =	vand.u32 $0x7, v3  }
0x8f: {  	v3 =	vor.u32 v3, v4  }
0x90: {  	v4 =	vperm.xlane v3, v0;
	_ =	sdelay $0x1  }
0x91: {  	v4 =	vadd.s32 v1, v4;
	_ =	sdelay $0x3  }
0x92: {  	s7 =	rddreg [dreg:$0x1c];
	v3 =	vperm.xlane v3, v2  }
0x93: {  	[tilespmem:s10], [sflag:$0x2] =	stream.indirect_vreg.gather [hbm4b:s2+s3], $0x80, v4, vm0, $0xb8;
	[tilespmem:$0x18100] =	vst v63  }
0x94: {  	s6 =	rddreg [dreg:$0x1d];
	v3 =	vadd.s32 v1, v3  }
0x95: {  	[tilespmem:s7], [sflag:$0x2] =	stream.indirect_vreg.gather [hbm4b:s4+s3], $0x80, v4, vm0, $0xb8;
	[tilespmem:$0x18100] =	vst v63  }
0x96: {  	s7 =	rddreg [dreg:$0x1e]  }
0x97: {  	[tilespmem:s6], [sflag:$0x2] =	stream.indirect_vreg.gather [hbm4b:s5+s3], $0x80, v4, vm0, $0xb8;
	[tilespmem:$0x18100] =	vst v63  }
0x98: {  	s6 =	rddreg [dreg:$0x1f]  }
0x99: {  	[tilespmem:s7], [sflag:$0x2] =	stream.indirect_vreg.gather [hbm4b:s2+s3], $0x80, v3, vm0, $0xb8;
	[tilespmem:$0x18100] =	vst v63  }
0x9a: {  	s7 =	sld [smem:$0x7F8]  }
0x9b: {  	[tilespmem:s6], [sflag:$0x2] =	stream.indirect_vreg.gather [hbm4b:s4+s3], $0x80, v3, vm0, $0xb8;
	[tilespmem:$0x18100] =	vst v63  }
0x9c: {  	_ = 	snop  }
0x9d: {  	[tilespmem:s7], [sflag:$0x2] =	stream.indirect_vreg.gather [hbm4b:s5+s3], $0x80, v3, vm0, $0xb8;
	[tilespmem:$0x18100] =	vst v63  }
0x9e: {  	v3 =	vld [tilespmem:$0x90];
	_ =	sdelay $0x4  }
0x9f: {  	v61 =	vshrl.u32 v3, $0x3  }
0xa0: {  	v4 =	vmul.u32 $0x30, v61  }
0xa1: {  	v3 =	vand.u32 $0x7, v3  }
0xa2: {  	v3 =	vor.u32 v3, v4  }
0xa3: {  	v4 =	vperm.xlane v3, v0;
	_ =	sdelay $0x1  }
0xa4: {  	v4 =	vadd.s32 v1, v4;
	_ =	sdelay $0x1  }
0xa5: {  	s6 =	sld [smem:$0x7FA];
	_ =	sdelay $0x1  }
0xa6: {  	s7 =	sld [smem:$0x7FB];
	v3 =	vperm.xlane v3, v2  }
0xa7: {  	[tilespmem:s6], [sflag:$0x2] =	stream.indirect_vreg.gather [hbm4b:s2+s3], $0x80, v4, vm0, $0xb8;
	[tilespmem:$0x18100] =	vst v63  }
0xa8: {  	s0 =	sld [smem:$0x7FC];
	v3 =	vadd.s32 v1, v3  }
0xa9: {  	[tilespmem:s7], [sflag:$0x2] =	stream.indirect_vreg.gather [hbm4b:s4+s3], $0x80, v4, vm0, $0xb8;
	[tilespmem:$0x18100] =	vst v63  }
0xaa: {  	s7 =	sld [smem:$0x7FD]  }
0xab: {  	[tilespmem:s0], [sflag:$0x2] =	stream.indirect_vreg.gather [hbm4b:s5+s3], $0x80, v4, vm0, $0xb8;
	[tilespmem:$0x18100] =	vst v63  }
0xac: {  	_ = 	snop  }
0xad: {  	[tilespmem:s7], [sflag:$0x2] =	stream.indirect_vreg.gather [hbm4b:s2+s3], $0x80, v3, vm0, $0xb8;
	[tilespmem:$0x18100] =	vst v63  }
0xae: {  	_ = 	snop  }
0xaf: {  	[tilespmem:s11], [sflag:$0x2] =	stream.indirect_vreg.gather [hbm4b:s4+s3], $0x80, v3, vm0, $0xb8;
	[tilespmem:$0x18100] =	vst v63  }
0xb0: {  	_ = 	snop  }
0xb1: {  	[tilespmem:s12], [sflag:$0x2] =	stream.indirect_vreg.gather [hbm4b:s5+s3], $0x80, v3, vm0, $0xb8;
	[tilespmem:$0x18100] =	vst v63  }
0xb2: {  	v3 =	vld [tilespmem:$0xA0];
	_ =	sdelay $0x4  }
0xb3: {  	v62 =	vshrl.u32 v3, $0x3  }
0xb4: {  	v4 =	vmul.u32 $0x30, v62  }
0xb5: {  	v3 =	vand.u32 $0x7, v3  }
0xb6: {  	v3 =	vor.u32 v3, v4  }
0xb7: {  	v4 =	vperm.xlane v3, v0;
	_ =	sdelay $0x1  }
0xb8: {  	v4 =	vadd.s32 v1, v4;
	_ =	sdelay $0x3  }
0xb9: {  	v3 =	vperm.xlane v3, v2  }
0xba: {  	[tilespmem:s13], [sflag:$0x2] =	stream.indirect_vreg.gather [hbm4b:s2+s3], $0x80, v4, vm0, $0xb8;
	[tilespmem:$0x18100] =	vst v63  }
0xbb: {  	v3 =	vadd.s32 v1, v3  }
0xbc: {  	[tilespmem:s14], [sflag:$0x2] =	stream.indirect_vreg.gather [hbm4b:s4+s3], $0x80, v4, vm0, $0xb8;
	[tilespmem:$0x18100] =	vst v63  }
0xbd: {  	_ = 	snop  }
0xbe: {  	[tilespmem:s15], [sflag:$0x2] =	stream.indirect_vreg.gather [hbm4b:s5+s3], $0x80, v4, vm0, $0xb8;
	[tilespmem:$0x18100] =	vst v63  }
0xbf: {  	_ = 	snop  }
0xc0: {  	[tilespmem:s16], [sflag:$0x2] =	stream.indirect_vreg.gather [hbm4b:s2+s3], $0x80, v3, vm0, $0xb8;
	[tilespmem:$0x18100] =	vst v63  }
0xc1: {  	_ = 	snop  }
0xc2: {  	[tilespmem:s17], [sflag:$0x2] =	stream.indirect_vreg.gather [hbm4b:s4+s3], $0x80, v3, vm0, $0xb8;
	[tilespmem:$0x18100] =	vst v63  }
0xc3: {  	_ = 	snop  }
0xc4: {  	[tilespmem:s18], [sflag:$0x2] =	stream.indirect_vreg.gather [hbm4b:s5+s3], $0x80, v3, vm0, $0xb8;
	[tilespmem:$0x18100] =	vst v63  }
0xc5: {  	v3 =	vld [tilespmem:$0xB0];
	_ =	sdelay $0x4  }
0xc6: {  	v63 =	vshrl.u32 v3, $0x3  }
0xc7: {  	v4 =	vmul.u32 $0x30, v63  }
0xc8: {  	v3 =	vand.u32 $0x7, v3  }
0xc9: {  	v3 =	vor.u32 v3, v4  }
0xca: {  	v4 =	vperm.xlane v3, v0;
	_ =	sdelay $0x1  }
0xcb: {  	v4 =	vadd.s32 v1, v4;
	_ =	sdelay $0x3  }
0xcc: {  	v3 =	vperm.xlane v3, v2  }
0xcd: {  	[tilespmem:s19], [sflag:$0x2] =	stream.indirect_vreg.gather [hbm4b:s2+s3], $0x80, v4, vm0, $0xb8;
	[tilespmem:$0x18100] =	vst v63  }
0xce: {  	v3 =	vadd.s32 v1, v3  }
0xcf: {  	[tilespmem:s20], [sflag:$0x2] =	stream.indirect_vreg.gather [hbm4b:s4+s3], $0x80, v4, vm0, $0xb8;
	[tilespmem:$0x18100] =	vst v63  }
0xd0: {  	_ = 	snop  }
0xd1: {  	[tilespmem:s21], [sflag:$0x2] =	stream.indirect_vreg.gather [hbm4b:s5+s3], $0x80, v4, vm0, $0xb8;
	[tilespmem:$0x18100] =	vst v63  }
0xd2: {  	_ = 	snop  }
0xd3: {  	[tilespmem:s22], [sflag:$0x2] =	stream.indirect_vreg.gather [hbm4b:s2+s3], $0x80, v3, vm0, $0xb8;
	[tilespmem:$0x18100] =	vst v63  }
0xd4: {  	_ = 	snop  }
0xd5: {  	[tilespmem:s23], [sflag:$0x2] =	stream.indirect_vreg.gather [hbm4b:s4+s3], $0x80, v3, vm0, $0xb8;
	[tilespmem:$0x18100] =	vst v63  }
0xd6: {  	_ = 	snop  }
0xd7: {  	[tilespmem:s24], [sflag:$0x2] =	stream.indirect_vreg.gather [hbm4b:s5+s3], $0x80, v3, vm0, $0xb8;
	[tilespmem:$0x18100] =	vst v63  }
0xd8: {  	_ =	swait.ge [sflag:s25], $0xC000  }
0xd9: {  	s1 =	sadd.s32 $0x10, s1;
	[sflag:s25] =	ssyncset.done $0x0  }
0xda: {  	p0 =	sne.s32 s1, $0x100;
	s7 =	sadd.s32 $0xFFFFE800, s31;
	[sflag:s25] =	ssyncadd.s32 $0xFFFF4000  }
0xdb: {  	[hbm4b:s7+s3] =	stream.linear.scatter [tilespmem:s9], [sflag:$0x3], $0xC000, $0x38;
	[tilespmem:$0x18100] =	vst v63  }
.Ltmp0:
0xdc: {  	_ =	swait.ge [sflag:s26], $0xC000;
	(pc) =	sbr.rel @p0 .LBB2_2-.Ltmp0, $4  }
0xdd: {  	[sflag:s26] =	ssyncset.done $0x0  }
0xde: {  	[sflag:s26] =	ssyncadd.s32 $0xFFFF4000  }
0xdf: {  	[hbm4b:s31+s3] =	stream.linear.scatter [tilespmem:s10], [sflag:$0x4], $0xC000, $0x38;
	[tilespmem:$0x18100] =	vst v63  }
0xe0: {  	s31 =	sadd.s32 $0x3000, s31  }
0xe1: {  	_ =	swait.ge [sflag:s28], $0xC000  }
0xe2: {  	[sflag:s28] =	ssyncset.done $0x0  }
0xe3: {  	[sflag:s28] =	ssyncadd.s32 $0xFFFF4000  }
0xe4: {  	_ =	swait.ge [sflag:s29], $0xC000  }
0xe5: {  	s0 =	sld [smem:$0x7F7];
	_ =	sdelay $0x1  }
0xe6: {  	s30 =	sadd.s32 $0x1, s30  }
0xe7: {  	p0 =	sne.s32 s30, s0  }
.Ltmp1:
0xe8: {  	_ = 	snop;
	(pc) =	sbr.rel @p0 .LBB2_1-.Ltmp1, $3  }
0xe9: {  	_ =	sdelay $0x1  }
0xea: {  	[sflag:s29] =	ssyncset.done $0x0  }
0xeb: {  	[sflag:s29] =	ssyncadd.s32 $0xFFFF4000  }
0xec: {  	_ =	sfence.sel $0x180000  }
0xed: {  	[bflag:$0x0] =	sbarrier.arrive $0xFFFF  }
0xee: {  	_ =	strace $0x9000004A  }
0xef: {  	s0 =	stileid.u32;
	[bflag:$0x2] =	sbarrier.arrive $0xFFFF  }
0xf0: {  	p0 =	sne.s32 s0, $0x0;
	s0 =	rddreg [dreg:$0x2]  }
0xf1: {  	s0 =	sadd.s32 @!p0 $0x100000, s0  }
0xf2: {  	[sflag:s0] =	ssyncadd.tile.s32 @!p0 $0x1;
	_ =	shalt  }
.Lfunc_end2:
_tile_overlayer_lowered:
.L_overlay_start_2:
0xf3: {  	(tag) =	ssettag $0x2  }
0xf4: {  	s0 =	rddreg [dreg:$0x0];
	s2 =	stileid.u32  }
0xf5: {  	s1 =	rddreg [dreg:$0x1];
	p0 =	sne.s32 s2, $0x0  }
0xf6: {  	s3 =	rddreg [dreg:$0x2];
	[bflag:$0x3] =	sbarrier.arrive $0xFFFF;
	s2 =	simm.s32 @!p0 $0x1C05  }
0xf7: {  	[timem:s3], [sflag:s2] =	dma.local @!p0 [hbm:s0], s1  }
0xf8: {  	s0 =	simm.s32 @!p0 $0x5  }
0xf9: {  	_ =	swait.ge @!p0 [sflag:s0], s1  }
0xfa: {  	s1 =	ssub.s32 @!p0 $0x0, s1;
	[sflag:s0] =	ssyncset.done @!p0 $0x0  }
0xfb: {  	[sflag:s0] =	ssyncadd.s32 @!p0 s1  }
0xfc: {  	[bflag:$0x3] =	sbarrier.arrive $0xFFFF  }
0xfd: {  	_ =	shalt  }

</sc_bundles>
